<compile_context>
chip_gen: v7x
topology: tpu7x:2x2x1
jax: 0.10.2.dev20260603
libtpu: 0.0.44.dev20260713+nightly
codegen_flags: <defaults>
</compile_context>

<pallas_src>
import functools

import jax
import jax.numpy as jnp
from jax import lax
from jax.experimental import pallas as pl
from jax.experimental.pallas import tpu as pltpu
from jax.experimental.pallas import tpu_sc as plsc

N_NODES = 100000
N_EDGES = 3200000
NC = 2
NS = 16
NW = NC * NS
SLICE = 128
N_CHUNKS = N_EDGES // SLICE
BASE_CH = N_CHUNKS // NW
EXTRA = N_CHUNKS - BASE_CH * NW


def _sc_body(x8_hbm, zer_hbm, ei_hbm, out_hbm,
             shr, src_idx, dst_idx, dstb, xs, xd, mv, sem):
    cid = lax.axis_index("c")
    sid = lax.axis_index("s")

    @pl.when(sid == 0)
    def _stage():
        pltpu.sync_copy(x8_hbm, shr.at[pl.ds(0, N_NODES)])
        pltpu.sync_copy(zer_hbm, shr.at[pl.ds(N_NODES, N_NODES)])

    plsc.subcore_barrier()

    w = cid * NS + sid
    base = w * BASE_CH

    lane = lax.iota(jnp.int32, 16)
    col0 = jnp.zeros((16,), jnp.int32)
    col1 = col0 + 1
    col2 = col0 + 2

    def do_chunk(c):
        pltpu.sync_copy(ei_hbm.at[0, c], src_idx)
        pltpu.sync_copy(ei_hbm.at[1, c], dst_idx)
        for j in range(SLICE // 16):
            dstb[pl.ds(j * 16, 16)] = dst_idx[pl.ds(j * 16, 16)] + N_NODES
        pltpu.sync_copy(shr.at[src_idx], xs)
        pltpu.sync_copy(shr.at[dst_idx], xd)
        for j in range(SLICE // 16):
            rows = j * 16 + lane
            ax = plsc.load_gather(xs, [rows, col0])
            ay = plsc.load_gather(xs, [rows, col1])
            az = plsc.load_gather(xs, [rows, col2])
            bx = plsc.load_gather(xd, [rows, col0])
            by = plsc.load_gather(xd, [rows, col1])
            bz = plsc.load_gather(xd, [rows, col2])
            dx = ax - bx
            dy = ay - by
            dz = az - bz
            s = dx * dx + dy * dy + dz * dz
            zmask = s == 0.0
            t = 1.0 / jnp.where(zmask, 1.0, s)
            t2 = t * t
            t3 = t2 * t
            t4 = jnp.where(zmask, 0.0, t2 * t2)
            g = 48.0 * t3 - 24.0
            plsc.store_scatter(mv, [rows, col0], (dx * t4) * g)
            plsc.store_scatter(mv, [rows, col1], (dy * t4) * g)
            plsc.store_scatter(mv, [rows, col2], (dz * t4) * g)
        pltpu.sync_copy(mv, shr.at[dstb], add=True)

    def chunk_body(i, carry):
        do_chunk(base + i)
        return carry

    lax.fori_loop(0, BASE_CH, chunk_body, 0)

    @pl.when(w < EXTRA)
    def _extra():
        do_chunk(NW * BASE_CH + w)

    plsc.subcore_barrier()

    @pl.when(sid == 0)
    def _flush():
        pltpu.sync_copy(shr.at[pl.ds(N_NODES, N_NODES)], out_hbm.at[cid])


_sc_kernel = functools.partial(
    pl.kernel,
    out_type=jax.ShapeDtypeStruct((NC, N_NODES, 8), jnp.float32),
    mesh=plsc.VectorSubcoreMesh(
        core_axis_name="c", subcore_axis_name="s",
        num_cores=NC, num_subcores=NS),
    compiler_params=pltpu.CompilerParams(
        needs_layout_passes=False, use_tc_tiling_on_sc=False),
    scratch_types=[
        pltpu.VMEM_SHARED((2 * N_NODES, 8), jnp.float32),
        pltpu.VMEM((SLICE,), jnp.int32),
        pltpu.VMEM((SLICE,), jnp.int32),
        pltpu.VMEM((SLICE,), jnp.int32),
        pltpu.VMEM((SLICE, 8), jnp.float32),
        pltpu.VMEM((SLICE, 8), jnp.float32),
        pltpu.VMEM((SLICE, 8), jnp.float32),
        pltpu.SemaphoreType.DMA,
    ],
)(_sc_body)


def _merge_body(p_ref, o_ref):
    o_ref[...] = p_ref[0] + p_ref[1]


_merge = pl.pallas_call(
    _merge_body,
    out_shape=jax.ShapeDtypeStruct((16, N_NODES // 2), jnp.float32),
)


def kernel(x, edge_index):
    x8 = jnp.concatenate([x, jnp.zeros((N_NODES, 5), jnp.float32)], axis=1)
    zer = jnp.zeros((N_NODES, 8), jnp.float32)
    ei = edge_index.reshape(2, N_CHUNKS, SLICE)
    part = _sc_kernel(x8, zer, ei)
    out8 = _merge(part.reshape(NC, 16, N_NODES // 2))
    return out8.reshape(N_NODES, 8)[:, :3]

# --- scband reference (transcript-rebuilt; emitter-appended) ---
"""Pipeline reference for scband-interaction-module-50328426774889 (READ-ONLY COPY).

The authoritative reference and input builder live on the scoring server;
editing this copy changes nothing except your own understanding.
"""

import jax, jax.numpy as jnp
import numpy as np

C = 1.0
SIGMA = 1.0
P = 12
Q = 6
N_NODES = 100000
N_EDGES = 3200000


def setup_inputs(seed: int = 0) -> dict:
    key = jax.random.key(seed)
    k1, k2 = jax.random.split(key)
    x = jax.random.normal(k1, (N_NODES, 3), dtype=jnp.float32)
    edge_index = jax.random.randint(k2, (2, N_EDGES), 0, N_NODES, dtype=jnp.int64 if jax.config.jax_enable_x64 else jnp.int32).astype(jnp.int32)
    return {"x": x, "edge_index": edge_index}


def lj_force(r):
    # 4*c*(sigma/r)**q * (p*(sigma/r)**(p-q) - q) / r
    s_over_r = SIGMA / r
    return 4.0 * C * s_over_r ** Q * (P * s_over_r ** (P - Q) - Q) / r


def reference(x, edge_index):
    src = edge_index[0]
    dst = edge_index[1]
    # dr_nonPeriodic(r1=dst_x, r2=src_x) -> src_x - dst_x
    dr = jnp.take(x, src, axis=0) - jnp.take(x, dst, axis=0)
    abs_dr = jnp.linalg.norm(dr, axis=-1, keepdims=True)
    # torch F.normalize: dr / max(||dr||, eps)
    unit_dr = dr / jnp.maximum(abs_dr, 1e-12)
    m = lj_force(abs_dr) * unit_dr
    # fn.sum('m', 'v'): scatter-add messages to destination nodes
    v = jax.ops.segment_sum(m, dst, num_segments=N_NODES)
    return v

if __name__ == "__main__":
    import jax
    _d = setup_inputs()
    print(jax.jit(kernel)(*tuple(_d.values())))

</pallas_src>

<mosaic_0001>
#map = affine_map<(d0, d1) -> (0, 0)>
#map1 = affine_map<(d0, d1) -> (0, 0, 0)>
module attributes {stable_mosaic.version = 14 : i64} {
  func.func @_sc_body(%arg0: i32, %arg1: i32, %arg2: memref<100000x8xf32, #tpu.memory_space<hbm>>, %arg3: memref<100000x8xf32, #tpu.memory_space<hbm>>, %arg4: memref<2x25000x128xi32, #tpu.memory_space<hbm>>, %arg5: memref<2x100000x8xf32, #tpu.memory_space<hbm>>, %arg6: memref<200000x8xf32, #tpu.memory_space<vmem_shared>>, %arg7: memref<128xi32, #tpu.memory_space<vmem>>, %arg8: memref<128xi32, #tpu.memory_space<vmem>>, %arg9: memref<128xi32, #tpu.memory_space<vmem>>, %arg10: memref<128x8xf32, #tpu.memory_space<vmem>>, %arg11: memref<128x8xf32, #tpu.memory_space<vmem>>, %arg12: memref<128x8xf32, #tpu.memory_space<vmem>>, %arg13: memref<!tpu.dma_semaphore, #tpu.memory_space<semaphore_mem>>) attributes {dimension_semantics = [#tpu.dimension_semantics<core_parallel>, #tpu.dimension_semantics<subcore_parallel>], iteration_bounds = array<i64: 2, 16>, scalar_prefetch = 0 : i64, scratch_operands = 8 : i64, tpu.core_type = #tpu.core_type<sc_vector_subcore>, window_params = [{transform_indices = #map}, {transform_indices = #map}, {transform_indices = #map1}, {transform_indices = #map1}]} {
    %eq3A = arith.constant 0 : i32
    %eq3A_0 = arith.cmpi eq, %arg1, %eq3A : i32
    %convert_element_type3A = arith.extui %eq3A_0 : i1 to i32
    %cond3A = arith.constant 0 : i32
    %cond3A_1 = arith.cmpi ne, %convert_element_type3A, %cond3A : i32
    scf.if %cond3A_1 {
      "tpu.region"() ({
        %run_scoped3A = tpu.sem_alloc : memref<!tpu.dma_semaphore, #tpu.memory_space<semaphore_mem>>
        %dma_start3A = arith.constant 0 : i32
        %dma_start3A_27 = arith.constant 0 : i32
        %dma_start3A_28 = tpu.memref_slice %arg6[%dma_start3A, %dma_start3A_27] : memref<200000x8xf32, #tpu.memory_space<vmem_shared>> -> memref<100000x8xf32, #tpu.memory_space<vmem_shared>>
        tpu.enqueue_dma source(%arg2 : memref<100000x8xf32, #tpu.memory_space<hbm>>) target(%dma_start3A_28 : memref<100000x8xf32, #tpu.memory_space<vmem_shared>>) target_semaphore(%run_scoped3A : memref<!tpu.dma_semaphore, #tpu.memory_space<semaphore_mem>>)
        %dma_wait3A = arith.constant 0 : i32
        %dma_wait3A_29 = arith.constant 0 : i32
        %dma_wait3A_30 = tpu.memref_slice %arg6[%dma_wait3A, %dma_wait3A_29] : memref<200000x8xf32, #tpu.memory_space<vmem_shared>> -> memref<100000x8xf32, #tpu.memory_space<vmem_shared>>
        tpu.wait_dma2 semaphore(%run_scoped3A : memref<!tpu.dma_semaphore, #tpu.memory_space<semaphore_mem>>) src(%arg2 : memref<100000x8xf32, #tpu.memory_space<hbm>>) dst(%dma_wait3A_30 : memref<100000x8xf32, #tpu.memory_space<vmem_shared>>)
        tpu.yield
      }) : () -> ()
      "tpu.region"() ({
        %run_scoped3A = tpu.sem_alloc : memref<!tpu.dma_semaphore, #tpu.memory_space<semaphore_mem>>
        %dma_start3A = arith.constant 100000 : i32
        %dma_start3A_27 = arith.constant 0 : i32
        %dma_start3A_28 = tpu.memref_slice %arg6[%dma_start3A, %dma_start3A_27] : memref<200000x8xf32, #tpu.memory_space<vmem_shared>> -> memref<100000x8xf32, #tpu.memory_space<vmem_shared>>
        tpu.enqueue_dma source(%arg3 : memref<100000x8xf32, #tpu.memory_space<hbm>>) target(%dma_start3A_28 : memref<100000x8xf32, #tpu.memory_space<vmem_shared>>) target_semaphore(%run_scoped3A : memref<!tpu.dma_semaphore, #tpu.memory_space<semaphore_mem>>)
        %dma_wait3A = arith.constant 100000 : i32
        %dma_wait3A_29 = arith.constant 0 : i32
        %dma_wait3A_30 = tpu.memref_slice %arg6[%dma_wait3A, %dma_wait3A_29] : memref<200000x8xf32, #tpu.memory_space<vmem_shared>> -> memref<100000x8xf32, #tpu.memory_space<vmem_shared>>
        tpu.wait_dma2 semaphore(%run_scoped3A : memref<!tpu.dma_semaphore, #tpu.memory_space<semaphore_mem>>) src(%arg3 : memref<100000x8xf32, #tpu.memory_space<hbm>>) dst(%dma_wait3A_30 : memref<100000x8xf32, #tpu.memory_space<vmem_shared>>)
        tpu.yield
      }) : () -> ()
    } else {
    }
    %barrier3A = arith.constant 0 : index
    tpu.barrier barrier_id(%barrier3A)
    %mul3A = arith.constant 16 : i32
    %mul3A_2 = arith.muli %arg0, %mul3A : i32
    %add3A = arith.addi %mul3A_2, %arg1 : i32
    %mul3A_3 = arith.constant 781 : i32
    %mul3A_4 = arith.muli %add3A, %mul3A_3 : i32
    %iota3A = tpu.iota {dimensions = array<i32: 0>} : vector<16xi32>
    %broadcast_in_dim3A = arith.constant 0 : i32
    %broadcast_in_dim3A_5 = vector.broadcast %broadcast_in_dim3A : i32 to vector<16xi32>
    %add3A_6 = arith.constant 1 : i32
    %add3A_7 = vector.broadcast %add3A_6 : i32 to vector<16xi32>
    %add3A_8 = arith.addi %broadcast_in_dim3A_5, %add3A_7 : vector<16xi32>
    %add3A_9 = arith.constant 2 : i32
    %add3A_10 = vector.broadcast %add3A_9 : i32 to vector<16xi32>
    %add3A_11 = arith.addi %broadcast_in_dim3A_5, %add3A_10 : vector<16xi32>
    %scan3A = arith.constant 0 : i32
    %scan3A_12 = arith.constant 0 : i32
    %scan3A_13 = arith.constant 781 : i32
    %scan3A_14 = arith.addi %scan3A_12, %scan3A_13 : i32
    %scan3A_15 = arith.constant 1 : i32
    scf.for %scan3A_27 = %scan3A_12 to %scan3A_14 step %scan3A_15  : i32 {
      %add3A_28 = arith.addi %mul3A_4, %scan3A_27 : i32
      %run_scoped3A = arith.constant 0 : i32
      "tpu.region"() ({
        %run_scoped3A_431 = tpu.sem_alloc : memref<!tpu.dma_semaphore, #tpu.memory_space<semaphore_mem>>
        %dma_start3A = arith.constant 0 : i32
        %dma_start3A_432 = tpu.memref_slice %arg4[%run_scoped3A, %add3A_28, %dma_start3A] : memref<2x25000x128xi32, #tpu.memory_space<hbm>> -> memref<1x1x128xi32, #tpu.memory_space<hbm>>
        %dma_start3A_433 = tpu.memref_squeeze %dma_start3A_432 : memref<1x1x128xi32, #tpu.memory_space<hbm>> -> memref<128xi32, #tpu.memory_space<hbm>>
        %dma_start3A_434 = arith.constant 0 : i32
        %dma_start3A_435 = tpu.memref_slice %arg4[%run_scoped3A, %add3A_28, %dma_start3A_434] : memref<2x25000x128xi32, #tpu.memory_space<hbm>> -> memref<1x1x128xi32, #tpu.memory_space<hbm>>
        %dma_start3A_436 = tpu.memref_squeeze %dma_start3A_435 : memref<1x1x128xi32, #tpu.memory_space<hbm>> -> memref<128xi32, #tpu.memory_space<hbm>>
        tpu.enqueue_dma source(%dma_start3A_436 : memref<128xi32, #tpu.memory_space<hbm>>) target(%arg7 : memref<128xi32, #tpu.memory_space<vmem>>) target_semaphore(%run_scoped3A_431 : memref<!tpu.dma_semaphore, #tpu.memory_space<semaphore_mem>>)
        %dma_wait3A = arith.constant 0 : i32
        %dma_wait3A_437 = tpu.memref_slice %arg4[%run_scoped3A, %add3A_28, %dma_wait3A] : memref<2x25000x128xi32, #tpu.memory_space<hbm>> -> memref<1x1x128xi32, #tpu.memory_space<hbm>>
        %dma_wait3A_438 = tpu.memref_squeeze %dma_wait3A_437 : memref<1x1x128xi32, #tpu.memory_space<hbm>> -> memref<128xi32, #tpu.memory_space<hbm>>
        %dma_wait3A_439 = arith.constant 0 : i32
        %dma_wait3A_440 = tpu.memref_slice %arg4[%run_scoped3A, %add3A_28, %dma_wait3A_439] : memref<2x25000x128xi32, #tpu.memory_space<hbm>> -> memref<1x1x128xi32, #tpu.memory_space<hbm>>
        %dma_wait3A_441 = tpu.memref_squeeze %dma_wait3A_440 : memref<1x1x128xi32, #tpu.memory_space<hbm>> -> memref<128xi32, #tpu.memory_space<hbm>>
        tpu.wait_dma2 semaphore(%run_scoped3A_431 : memref<!tpu.dma_semaphore, #tpu.memory_space<semaphore_mem>>) src(%dma_wait3A_441 : memref<128xi32, #tpu.memory_space<hbm>>) dst(%arg7 : memref<128xi32, #tpu.memory_space<vmem>>)
        tpu.yield
      }) : () -> ()
      %run_scoped3A_29 = arith.constant 1 : i32
      "tpu.region"() ({
        %run_scoped3A_431 = tpu.sem_alloc : memref<!tpu.dma_semaphore, #tpu.memory_space<semaphore_mem>>
        %dma_start3A = arith.constant 0 : i32
        %dma_start3A_432 = tpu.memref_slice %arg4[%run_scoped3A_29, %add3A_28, %dma_start3A] : memref<2x25000x128xi32, #tpu.memory_space<hbm>> -> memref<1x1x128xi32, #tpu.memory_space<hbm>>
        %dma_start3A_433 = tpu.memref_squeeze %dma_start3A_432 : memref<1x1x128xi32, #tpu.memory_space<hbm>> -> memref<128xi32, #tpu.memory_space<hbm>>
        %dma_start3A_434 = arith.constant 0 : i32
        %dma_start3A_435 = tpu.memref_slice %arg4[%run_scoped3A_29, %add3A_28, %dma_start3A_434] : memref<2x25000x128xi32, #tpu.memory_space<hbm>> -> memref<1x1x128xi32, #tpu.memory_space<hbm>>
        %dma_start3A_436 = tpu.memref_squeeze %dma_start3A_435 : memref<1x1x128xi32, #tpu.memory_space<hbm>> -> memref<128xi32, #tpu.memory_space<hbm>>
        tpu.enqueue_dma source(%dma_start3A_436 : memref<128xi32, #tpu.memory_space<hbm>>) target(%arg8 : memref<128xi32, #tpu.memory_space<vmem>>) target_semaphore(%run_scoped3A_431 : memref<!tpu.dma_semaphore, #tpu.memory_space<semaphore_mem>>)
        %dma_wait3A = arith.constant 0 : i32
        %dma_wait3A_437 = tpu.memref_slice %arg4[%run_scoped3A_29, %add3A_28, %dma_wait3A] : memref<2x25000x128xi32, #tpu.memory_space<hbm>> -> memref<1x1x128xi32, #tpu.memory_space<hbm>>
        %dma_wait3A_438 = tpu.memref_squeeze %dma_wait3A_437 : memref<1x1x128xi32, #tpu.memory_space<hbm>> -> memref<128xi32, #tpu.memory_space<hbm>>
        %dma_wait3A_439 = arith.constant 0 : i32
        %dma_wait3A_440 = tpu.memref_slice %arg4[%run_scoped3A_29, %add3A_28, %dma_wait3A_439] : memref<2x25000x128xi32, #tpu.memory_space<hbm>> -> memref<1x1x128xi32, #tpu.memory_space<hbm>>
        %dma_wait3A_441 = tpu.memref_squeeze %dma_wait3A_440 : memref<1x1x128xi32, #tpu.memory_space<hbm>> -> memref<128xi32, #tpu.memory_space<hbm>>
        tpu.wait_dma2 semaphore(%run_scoped3A_431 : memref<!tpu.dma_semaphore, #tpu.memory_space<semaphore_mem>>) src(%dma_wait3A_441 : memref<128xi32, #tpu.memory_space<hbm>>) dst(%arg8 : memref<128xi32, #tpu.memory_space<vmem>>)
        tpu.yield
      }) : () -> ()
      %get3A = arith.constant 0 : index
      %get3A_30 = tpu.vector_load %arg8[%get3A] {strides = array<i32>} : memref<128xi32, #tpu.memory_space<vmem>>, vector<16xi32>,
      %add3A_31 = arith.constant 100000 : i32
      %add3A_32 = vector.broadcast %add3A_31 : i32 to vector<16xi32>
      %add3A_33 = arith.addi %get3A_30, %add3A_32 : vector<16xi32>
      %swap3A = arith.constant 0 : index
      %swap3A_34 = tpu.vector_load %arg9[%swap3A] {strides = array<i32>} : memref<128xi32, #tpu.memory_space<vmem>>, vector<16xi32>,
      tpu.vector_store %arg9[%swap3A], %add3A_33 {strides = array<i32>} : memref<128xi32, #tpu.memory_space<vmem>>, vector<16xi32>,
      %get3A_35 = arith.constant 16 : index
      %get3A_36 = tpu.vector_load %arg8[%get3A_35] {strides = array<i32>} : memref<128xi32, #tpu.memory_space<vmem>>, vector<16xi32>,
      %add3A_37 = arith.constant 100000 : i32
      %add3A_38 = vector.broadcast %add3A_37 : i32 to vector<16xi32>
      %add3A_39 = arith.addi %get3A_36, %add3A_38 : vector<16xi32>
      %swap3A_40 = arith.constant 16 : index
      %swap3A_41 = tpu.vector_load %arg9[%swap3A_40] {strides = array<i32>} : memref<128xi32, #tpu.memory_space<vmem>>, vector<16xi32>,
      tpu.vector_store %arg9[%swap3A_40], %add3A_39 {strides = array<i32>} : memref<128xi32, #tpu.memory_space<vmem>>, vector<16xi32>,
      %get3A_42 = arith.constant 32 : index
      %get3A_43 = tpu.vector_load %arg8[%get3A_42] {strides = array<i32>} : memref<128xi32, #tpu.memory_space<vmem>>, vector<16xi32>,
      %add3A_44 = arith.constant 100000 : i32
      %add3A_45 = vector.broadcast %add3A_44 : i32 to vector<16xi32>
      %add3A_46 = arith.addi %get3A_43, %add3A_45 : vector<16xi32>
      %swap3A_47 = arith.constant 32 : index
      %swap3A_48 = tpu.vector_load %arg9[%swap3A_47] {strides = array<i32>} : memref<128xi32, #tpu.memory_space<vmem>>, vector<16xi32>,
      tpu.vector_store %arg9[%swap3A_47], %add3A_46 {strides = array<i32>} : memref<128xi32, #tpu.memory_space<vmem>>, vector<16xi32>,
      %get3A_49 = arith.constant 48 : index
      %get3A_50 = tpu.vector_load %arg8[%get3A_49] {strides = array<i32>} : memref<128xi32, #tpu.memory_space<vmem>>, vector<16xi32>,
      %add3A_51 = arith.constant 100000 : i32
      %add3A_52 = vector.broadcast %add3A_51 : i32 to vector<16xi32>
      %add3A_53 = arith.addi %get3A_50, %add3A_52 : vector<16xi32>
      %swap3A_54 = arith.constant 48 : index
      %swap3A_55 = tpu.vector_load %arg9[%swap3A_54] {strides = array<i32>} : memref<128xi32, #tpu.memory_space<vmem>>, vector<16xi32>,
      tpu.vector_store %arg9[%swap3A_54], %add3A_53 {strides = array<i32>} : memref<128xi32, #tpu.memory_space<vmem>>, vector<16xi32>,
      %get3A_56 = arith.constant 64 : index
      %get3A_57 = tpu.vector_load %arg8[%get3A_56] {strides = array<i32>} : memref<128xi32, #tpu.memory_space<vmem>>, vector<16xi32>,
      %add3A_58 = arith.constant 100000 : i32
      %add3A_59 = vector.broadcast %add3A_58 : i32 to vector<16xi32>
      %add3A_60 = arith.addi %get3A_57, %add3A_59 : vector<16xi32>
      %swap3A_61 = arith.constant 64 : index
      %swap3A_62 = tpu.vector_load %arg9[%swap3A_61] {strides = array<i32>} : memref<128xi32, #tpu.memory_space<vmem>>, vector<16xi32>,
      tpu.vector_store %arg9[%swap3A_61], %add3A_60 {strides = array<i32>} : memref<128xi32, #tpu.memory_space<vmem>>, vector<16xi32>,
      %get3A_63 = arith.constant 80 : index
      %get3A_64 = tpu.vector_load %arg8[%get3A_63] {strides = array<i32>} : memref<128xi32, #tpu.memory_space<vmem>>, vector<16xi32>,
      %add3A_65 = arith.constant 100000 : i32
      %add3A_66 = vector.broadcast %add3A_65 : i32 to vector<16xi32>
      %add3A_67 = arith.addi %get3A_64, %add3A_66 : vector<16xi32>
      %swap3A_68 = arith.constant 80 : index
      %swap3A_69 = tpu.vector_load %arg9[%swap3A_68] {strides = array<i32>} : memref<128xi32, #tpu.memory_space<vmem>>, vector<16xi32>,
      tpu.vector_store %arg9[%swap3A_68], %add3A_67 {strides = array<i32>} : memref<128xi32, #tpu.memory_space<vmem>>, vector<16xi32>,
      %get3A_70 = arith.constant 96 : index
      %get3A_71 = tpu.vector_load %arg8[%get3A_70] {strides = array<i32>} : memref<128xi32, #tpu.memory_space<vmem>>, vector<16xi32>,
      %add3A_72 = arith.constant 100000 : i32
      %add3A_73 = vector.broadcast %add3A_72 : i32 to vector<16xi32>
      %add3A_74 = arith.addi %get3A_71, %add3A_73 : vector<16xi32>
      %swap3A_75 = arith.constant 96 : index
      %swap3A_76 = tpu.vector_load %arg9[%swap3A_75] {strides = array<i32>} : memref<128xi32, #tpu.memory_space<vmem>>, vector<16xi32>,
      tpu.vector_store %arg9[%swap3A_75], %add3A_74 {strides = array<i32>} : memref<128xi32, #tpu.memory_space<vmem>>, vector<16xi32>,
      %get3A_77 = arith.constant 112 : index
      %get3A_78 = tpu.vector_load %arg8[%get3A_77] {strides = array<i32>} : memref<128xi32, #tpu.memory_space<vmem>>, vector<16xi32>,
      %add3A_79 = arith.constant 100000 : i32
      %add3A_80 = vector.broadcast %add3A_79 : i32 to vector<16xi32>
      %add3A_81 = arith.addi %get3A_78, %add3A_80 : vector<16xi32>
      %swap3A_82 = arith.constant 112 : index
      %swap3A_83 = tpu.vector_load %arg9[%swap3A_82] {strides = array<i32>} : memref<128xi32, #tpu.memory_space<vmem>>, vector<16xi32>,
      tpu.vector_store %arg9[%swap3A_82], %add3A_81 {strides = array<i32>} : memref<128xi32, #tpu.memory_space<vmem>>, vector<16xi32>,
      "tpu.region"() ({
        %run_scoped3A_431 = tpu.sem_alloc : memref<!tpu.dma_semaphore, #tpu.memory_space<semaphore_mem>>
        %dma_start3A = arith.constant 0 : i32
        %dma_start3A_432 = arith.constant 0 : i32
        %dma_start3A_433 = tpu.memref_slice %arg6[%dma_start3A, %dma_start3A_432] : memref<200000x8xf32, #tpu.memory_space<vmem_shared>> -> memref<200000x8xf32, #tpu.memory_space<vmem_shared>>
        tpu.enqueue_indirect_dma source(%dma_start3A_433 : memref<200000x8xf32, #tpu.memory_space<vmem_shared>>) target(%arg10 : memref<128x8xf32, #tpu.memory_space<vmem>>) offsets(%arg7 : memref<128xi32, #tpu.memory_space<vmem>>) semaphore(%run_scoped3A_431 : memref<!tpu.dma_semaphore, #tpu.memory_space<semaphore_mem>>)
        %dma_wait3A = arith.constant 0 : i32
        %dma_wait3A_434 = arith.constant 0 : i32
        %dma_wait3A_435 = tpu.memref_slice %arg6[%dma_wait3A, %dma_wait3A_434] : memref<200000x8xf32, #tpu.memory_space<vmem_shared>> -> memref<200000x8xf32, #tpu.memory_space<vmem_shared>>
        tpu.wait_indirect_dma semaphore(%run_scoped3A_431 : memref<!tpu.dma_semaphore, #tpu.memory_space<semaphore_mem>>) src(%dma_wait3A_435 : memref<200000x8xf32, #tpu.memory_space<vmem_shared>>) dst(%arg10 : memref<128x8xf32, #tpu.memory_space<vmem>>)
        tpu.yield
      }) : () -> ()
      "tpu.region"() ({
        %run_scoped3A_431 = tpu.sem_alloc : memref<!tpu.dma_semaphore, #tpu.memory_space<semaphore_mem>>
        %dma_start3A = arith.constant 0 : i32
        %dma_start3A_432 = arith.constant 0 : i32
        %dma_start3A_433 = tpu.memref_slice %arg6[%dma_start3A, %dma_start3A_432] : memref<200000x8xf32, #tpu.memory_space<vmem_shared>> -> memref<200000x8xf32, #tpu.memory_space<vmem_shared>>
        tpu.enqueue_indirect_dma source(%dma_start3A_433 : memref<200000x8xf32, #tpu.memory_space<vmem_shared>>) target(%arg11 : memref<128x8xf32, #tpu.memory_space<vmem>>) offsets(%arg8 : memref<128xi32, #tpu.memory_space<vmem>>) semaphore(%run_scoped3A_431 : memref<!tpu.dma_semaphore, #tpu.memory_space<semaphore_mem>>)
        %dma_wait3A = arith.constant 0 : i32
        %dma_wait3A_434 = arith.constant 0 : i32
        %dma_wait3A_435 = tpu.memref_slice %arg6[%dma_wait3A, %dma_wait3A_434] : memref<200000x8xf32, #tpu.memory_space<vmem_shared>> -> memref<200000x8xf32, #tpu.memory_space<vmem_shared>>
        tpu.wait_indirect_dma semaphore(%run_scoped3A_431 : memref<!tpu.dma_semaphore, #tpu.memory_space<semaphore_mem>>) src(%dma_wait3A_435 : memref<200000x8xf32, #tpu.memory_space<vmem_shared>>) dst(%arg11 : memref<128x8xf32, #tpu.memory_space<vmem>>)
        tpu.yield
      }) : () -> ()
      %add3A_84 = arith.constant 0 : i32
      %add3A_85 = vector.broadcast %add3A_84 : i32 to vector<16xi32>
      %add3A_86 = arith.addi %add3A_85, %iota3A : vector<16xi32>
      %gather3A = tpu.vector_load_idx %arg10[%add3A_86, %broadcast_in_dim3A_5] : memref<128x8xf32, #tpu.memory_space<vmem>>[vector<16xi32>, vector<16xi32>], vector<16xf32>,
      %gather3A_87 = tpu.vector_load_idx %arg10[%add3A_86, %add3A_8] : memref<128x8xf32, #tpu.memory_space<vmem>>[vector<16xi32>, vector<16xi32>], vector<16xf32>,
      %gather3A_88 = tpu.vector_load_idx %arg10[%add3A_86, %add3A_11] : memref<128x8xf32, #tpu.memory_space<vmem>>[vector<16xi32>, vector<16xi32>], vector<16xf32>,
      %gather3A_89 = tpu.vector_load_idx %arg11[%add3A_86, %broadcast_in_dim3A_5] : memref<128x8xf32, #tpu.memory_space<vmem>>[vector<16xi32>, vector<16xi32>], vector<16xf32>,
      %gather3A_90 = tpu.vector_load_idx %arg11[%add3A_86, %add3A_8] : memref<128x8xf32, #tpu.memory_space<vmem>>[vector<16xi32>, vector<16xi32>], vector<16xf32>,
      %gather3A_91 = tpu.vector_load_idx %arg11[%add3A_86, %add3A_11] : memref<128x8xf32, #tpu.memory_space<vmem>>[vector<16xi32>, vector<16xi32>], vector<16xf32>,
      %sub3A = arith.subf %gather3A, %gather3A_89 : vector<16xf32>
      %sub3A_92 = arith.subf %gather3A_87, %gather3A_90 : vector<16xf32>
      %sub3A_93 = arith.subf %gather3A_88, %gather3A_91 : vector<16xf32>
      %mul3A_94 = arith.mulf %sub3A, %sub3A : vector<16xf32>
      %mul3A_95 = arith.mulf %sub3A_92, %sub3A_92 : vector<16xf32>
      %add3A_96 = arith.addf %mul3A_94, %mul3A_95 : vector<16xf32>
      %mul3A_97 = arith.mulf %sub3A_93, %sub3A_93 : vector<16xf32>
      %add3A_98 = arith.addf %add3A_96, %mul3A_97 : vector<16xf32>
      %eq3A_99 = arith.constant 0.000000e+00 : f32
      %eq3A_100 = vector.broadcast %eq3A_99 : f32 to vector<16xf32>
      %eq3A_101 = arith.cmpf oeq, %add3A_98, %eq3A_100 : vector<16xf32>
      %jit3A = arith.constant 1.000000e+00 : f32
      %broadcast_in_dim3A_102 = vector.broadcast %jit3A : f32 to vector<16xf32>
      %select_n3A = arith.select %eq3A_101, %broadcast_in_dim3A_102, %add3A_98 : vector<16xi1>, vector<16xf32>
      %div3A = arith.constant 1.000000e+00 : f32
      %div3A_103 = vector.broadcast %div3A : f32 to vector<16xf32>
      %div3A_104 = arith.divf %div3A_103, %select_n3A : vector<16xf32>
      %mul3A_105 = arith.mulf %div3A_104, %div3A_104 : vector<16xf32>
      %mul3A_106 = arith.mulf %mul3A_105, %div3A_104 : vector<16xf32>
      %mul3A_107 = arith.mulf %mul3A_105, %mul3A_105 : vector<16xf32>
      %jit3A_108 = arith.constant 0.000000e+00 : f32
      %broadcast_in_dim3A_109 = vector.broadcast %jit3A_108 : f32 to vector<16xf32>
      %select_n3A_110 = arith.select %eq3A_101, %broadcast_in_dim3A_109, %mul3A_107 : vector<16xi1>, vector<16xf32>
      %mul3A_111 = arith.constant 4.800000e+01 : f32
      %mul3A_112 = vector.broadcast %mul3A_111 : f32 to vector<16xf32>
      %mul3A_113 = arith.mulf %mul3A_112, %mul3A_106 : vector<16xf32>
      %sub3A_114 = arith.constant 2.400000e+01 : f32
      %sub3A_115 = vector.broadcast %sub3A_114 : f32 to vector<16xf32>
      %sub3A_116 = arith.subf %mul3A_113, %sub3A_115 : vector<16xf32>
      %mul3A_117 = arith.mulf %sub3A, %select_n3A_110 : vector<16xf32>
      %mul3A_118 = arith.mulf %mul3A_117, %sub3A_116 : vector<16xf32>
      tpu.vector_store_idx %arg12[%add3A_86, %broadcast_in_dim3A_5], %mul3A_118 : memref<128x8xf32, #tpu.memory_space<vmem>>[vector<16xi32>, vector<16xi32>], vector<16xf32>,
      %mul3A_119 = arith.mulf %sub3A_92, %select_n3A_110 : vector<16xf32>
      %mul3A_120 = arith.mulf %mul3A_119, %sub3A_116 : vector<16xf32>
      tpu.vector_store_idx %arg12[%add3A_86, %add3A_8], %mul3A_120 : memref<128x8xf32, #tpu.memory_space<vmem>>[vector<16xi32>, vector<16xi32>], vector<16xf32>,
      %mul3A_121 = arith.mulf %sub3A_93, %select_n3A_110 : vector<16xf32>
      %mul3A_122 = arith.mulf %mul3A_121, %sub3A_116 : vector<16xf32>
      tpu.vector_store_idx %arg12[%add3A_86, %add3A_11], %mul3A_122 : memref<128x8xf32, #tpu.memory_space<vmem>>[vector<16xi32>, vector<16xi32>], vector<16xf32>,
      %add3A_123 = arith.constant 16 : i32
      %add3A_124 = vector.broadcast %add3A_123 : i32 to vector<16xi32>
      %add3A_125 = arith.addi %add3A_124, %iota3A : vector<16xi32>
      %gather3A_126 = tpu.vector_load_idx %arg10[%add3A_125, %broadcast_in_dim3A_5] : memref<128x8xf32, #tpu.memory_space<vmem>>[vector<16xi32>, vector<16xi32>], vector<16xf32>,
      %gather3A_127 = tpu.vector_load_idx %arg10[%add3A_125, %add3A_8] : memref<128x8xf32, #tpu.memory_space<vmem>>[vector<16xi32>, vector<16xi32>], vector<16xf32>,
      %gather3A_128 = tpu.vector_load_idx %arg10[%add3A_125, %add3A_11] : memref<128x8xf32, #tpu.memory_space<vmem>>[vector<16xi32>, vector<16xi32>], vector<16xf32>,
      %gather3A_129 = tpu.vector_load_idx %arg11[%add3A_125, %broadcast_in_dim3A_5] : memref<128x8xf32, #tpu.memory_space<vmem>>[vector<16xi32>, vector<16xi32>], vector<16xf32>,
      %gather3A_130 = tpu.vector_load_idx %arg11[%add3A_125, %add3A_8] : memref<128x8xf32, #tpu.memory_space<vmem>>[vector<16xi32>, vector<16xi32>], vector<16xf32>,
      %gather3A_131 = tpu.vector_load_idx %arg11[%add3A_125, %add3A_11] : memref<128x8xf32, #tpu.memory_space<vmem>>[vector<16xi32>, vector<16xi32>], vector<16xf32>,
      %sub3A_132 = arith.subf %gather3A_126, %gather3A_129 : vector<16xf32>
      %sub3A_133 = arith.subf %gather3A_127, %gather3A_130 : vector<16xf32>
      %sub3A_134 = arith.subf %gather3A_128, %gather3A_131 : vector<16xf32>
      %mul3A_135 = arith.mulf %sub3A_132, %sub3A_132 : vector<16xf32>
      %mul3A_136 = arith.mulf %sub3A_133, %sub3A_133 : vector<16xf32>
      %add3A_137 = arith.addf %mul3A_135, %mul3A_136 : vector<16xf32>
      %mul3A_138 = arith.mulf %sub3A_134, %sub3A_134 : vector<16xf32>
      %add3A_139 = arith.addf %add3A_137, %mul3A_138 : vector<16xf32>
      %eq3A_140 = arith.constant 0.000000e+00 : f32
      %eq3A_141 = vector.broadcast %eq3A_140 : f32 to vector<16xf32>
      %eq3A_142 = arith.cmpf oeq, %add3A_139, %eq3A_141 : vector<16xf32>
      %jit3A_143 = arith.constant 1.000000e+00 : f32
      %broadcast_in_dim3A_144 = vector.broadcast %jit3A_143 : f32 to vector<16xf32>
      %select_n3A_145 = arith.select %eq3A_142, %broadcast_in_dim3A_144, %add3A_139 : vector<16xi1>, vector<16xf32>
      %div3A_146 = arith.constant 1.000000e+00 : f32
      %div3A_147 = vector.broadcast %div3A_146 : f32 to vector<16xf32>
      %div3A_148 = arith.divf %div3A_147, %select_n3A_145 : vector<16xf32>
      %mul3A_149 = arith.mulf %div3A_148, %div3A_148 : vector<16xf32>
      %mul3A_150 = arith.mulf %mul3A_149, %div3A_148 : vector<16xf32>
      %mul3A_151 = arith.mulf %mul3A_149, %mul3A_149 : vector<16xf32>
      %jit3A_152 = arith.constant 0.000000e+00 : f32
      %broadcast_in_dim3A_153 = vector.broadcast %jit3A_152 : f32 to vector<16xf32>
      %select_n3A_154 = arith.select %eq3A_142, %broadcast_in_dim3A_153, %mul3A_151 : vector<16xi1>, vector<16xf32>
      %mul3A_155 = arith.constant 4.800000e+01 : f32
      %mul3A_156 = vector.broadcast %mul3A_155 : f32 to vector<16xf32>
      %mul3A_157 = arith.mulf %mul3A_156, %mul3A_150 : vector<16xf32>
      %sub3A_158 = arith.constant 2.400000e+01 : f32
      %sub3A_159 = vector.broadcast %sub3A_158 : f32 to vector<16xf32>
      %sub3A_160 = arith.subf %mul3A_157, %sub3A_159 : vector<16xf32>
      %mul3A_161 = arith.mulf %sub3A_132, %select_n3A_154 : vector<16xf32>
      %mul3A_162 = arith.mulf %mul3A_161, %sub3A_160 : vector<16xf32>
      tpu.vector_store_idx %arg12[%add3A_125, %broadcast_in_dim3A_5], %mul3A_162 : memref<128x8xf32, #tpu.memory_space<vmem>>[vector<16xi32>, vector<16xi32>], vector<16xf32>,
      %mul3A_163 = arith.mulf %sub3A_133, %select_n3A_154 : vector<16xf32>
      %mul3A_164 = arith.mulf %mul3A_163, %sub3A_160 : vector<16xf32>
      tpu.vector_store_idx %arg12[%add3A_125, %add3A_8], %mul3A_164 : memref<128x8xf32, #tpu.memory_space<vmem>>[vector<16xi32>, vector<16xi32>], vector<16xf32>,
      %mul3A_165 = arith.mulf %sub3A_134, %select_n3A_154 : vector<16xf32>
      %mul3A_166 = arith.mulf %mul3A_165, %sub3A_160 : vector<16xf32>
      tpu.vector_store_idx %arg12[%add3A_125, %add3A_11], %mul3A_166 : memref<128x8xf32, #tpu.memory_space<vmem>>[vector<16xi32>, vector<16xi32>], vector<16xf32>,
      %add3A_167 = arith.constant 32 : i32
      %add3A_168 = vector.broadcast %add3A_167 : i32 to vector<16xi32>
      %add3A_169 = arith.addi %add3A_168, %iota3A : vector<16xi32>
      %gather3A_170 = tpu.vector_load_idx %arg10[%add3A_169, %broadcast_in_dim3A_5] : memref<128x8xf32, #tpu.memory_space<vmem>>[vector<16xi32>, vector<16xi32>], vector<16xf32>,
      %gather3A_171 = tpu.vector_load_idx %arg10[%add3A_169, %add3A_8] : memref<128x8xf32, #tpu.memory_space<vmem>>[vector<16xi32>, vector<16xi32>], vector<16xf32>,
      %gather3A_172 = tpu.vector_load_idx %arg10[%add3A_169, %add3A_11] : memref<128x8xf32, #tpu.memory_space<vmem>>[vector<16xi32>, vector<16xi32>], vector<16xf32>,
      %gather3A_173 = tpu.vector_load_idx %arg11[%add3A_169, %broadcast_in_dim3A_5] : memref<128x8xf32, #tpu.memory_space<vmem>>[vector<16xi32>, vector<16xi32>], vector<16xf32>,
      %gather3A_174 = tpu.vector_load_idx %arg11[%add3A_169, %add3A_8] : memref<128x8xf32, #tpu.memory_space<vmem>>[vector<16xi32>, vector<16xi32>], vector<16xf32>,
      %gather3A_175 = tpu.vector_load_idx %arg11[%add3A_169, %add3A_11] : memref<128x8xf32, #tpu.memory_space<vmem>>[vector<16xi32>, vector<16xi32>], vector<16xf32>,
      %sub3A_176 = arith.subf %gather3A_170, %gather3A_173 : vector<16xf32>
      %sub3A_177 = arith.subf %gather3A_171, %gather3A_174 : vector<16xf32>
      %sub3A_178 = arith.subf %gather3A_172, %gather3A_175 : vector<16xf32>
      %mul3A_179 = arith.mulf %sub3A_176, %sub3A_176 : vector<16xf32>
      %mul3A_180 = arith.mulf %sub3A_177, %sub3A_177 : vector<16xf32>
      %add3A_181 = arith.addf %mul3A_179, %mul3A_180 : vector<16xf32>
      %mul3A_182 = arith.mulf %sub3A_178, %sub3A_178 : vector<16xf32>
      %add3A_183 = arith.addf %add3A_181, %mul3A_182 : vector<16xf32>
      %eq3A_184 = arith.constant 0.000000e+00 : f32
      %eq3A_185 = vector.broadcast %eq3A_184 : f32 to vector<16xf32>
      %eq3A_186 = arith.cmpf oeq, %add3A_183, %eq3A_185 : vector<16xf32>
      %jit3A_187 = arith.constant 1.000000e+00 : f32
      %broadcast_in_dim3A_188 = vector.broadcast %jit3A_187 : f32 to vector<16xf32>
      %select_n3A_189 = arith.select %eq3A_186, %broadcast_in_dim3A_188, %add3A_183 : vector<16xi1>, vector<16xf32>
      %div3A_190 = arith.constant 1.000000e+00 : f32
      %div3A_191 = vector.broadcast %div3A_190 : f32 to vector<16xf32>
      %div3A_192 = arith.divf %div3A_191, %select_n3A_189 : vector<16xf32>
      %mul3A_193 = arith.mulf %div3A_192, %div3A_192 : vector<16xf32>
      %mul3A_194 = arith.mulf %mul3A_193, %div3A_192 : vector<16xf32>
      %mul3A_195 = arith.mulf %mul3A_193, %mul3A_193 : vector<16xf32>
      %jit3A_196 = arith.constant 0.000000e+00 : f32
      %broadcast_in_dim3A_197 = vector.broadcast %jit3A_196 : f32 to vector<16xf32>
      %select_n3A_198 = arith.select %eq3A_186, %broadcast_in_dim3A_197, %mul3A_195 : vector<16xi1>, vector<16xf32>
      %mul3A_199 = arith.constant 4.800000e+01 : f32
      %mul3A_200 = vector.broadcast %mul3A_199 : f32 to vector<16xf32>
      %mul3A_201 = arith.mulf %mul3A_200, %mul3A_194 : vector<16xf32>
      %sub3A_202 = arith.constant 2.400000e+01 : f32
      %sub3A_203 = vector.broadcast %sub3A_202 : f32 to vector<16xf32>
      %sub3A_204 = arith.subf %mul3A_201, %sub3A_203 : vector<16xf32>
      %mul3A_205 = arith.mulf %sub3A_176, %select_n3A_198 : vector<16xf32>
      %mul3A_206 = arith.mulf %mul3A_205, %sub3A_204 : vector<16xf32>
      tpu.vector_store_idx %arg12[%add3A_169, %broadcast_in_dim3A_5], %mul3A_206 : memref<128x8xf32, #tpu.memory_space<vmem>>[vector<16xi32>, vector<16xi32>], vector<16xf32>,
      %mul3A_207 = arith.mulf %sub3A_177, %select_n3A_198 : vector<16xf32>
      %mul3A_208 = arith.mulf %mul3A_207, %sub3A_204 : vector<16xf32>
      tpu.vector_store_idx %arg12[%add3A_169, %add3A_8], %mul3A_208 : memref<128x8xf32, #tpu.memory_space<vmem>>[vector<16xi32>, vector<16xi32>], vector<16xf32>,
      %mul3A_209 = arith.mulf %sub3A_178, %select_n3A_198 : vector<16xf32>
      %mul3A_210 = arith.mulf %mul3A_209, %sub3A_204 : vector<16xf32>
      tpu.vector_store_idx %arg12[%add3A_169, %add3A_11], %mul3A_210 : memref<128x8xf32, #tpu.memory_space<vmem>>[vector<16xi32>, vector<16xi32>], vector<16xf32>,
      %add3A_211 = arith.constant 48 : i32
      %add3A_212 = vector.broadcast %add3A_211 : i32 to vector<16xi32>
      %add3A_213 = arith.addi %add3A_212, %iota3A : vector<16xi32>
      %gather3A_214 = tpu.vector_load_idx %arg10[%add3A_213, %broadcast_in_dim3A_5] : memref<128x8xf32, #tpu.memory_space<vmem>>[vector<16xi32>, vector<16xi32>], vector<16xf32>,
      %gather3A_215 = tpu.vector_load_idx %arg10[%add3A_213, %add3A_8] : memref<128x8xf32, #tpu.memory_space<vmem>>[vector<16xi32>, vector<16xi32>], vector<16xf32>,
      %gather3A_216 = tpu.vector_load_idx %arg10[%add3A_213, %add3A_11] : memref<128x8xf32, #tpu.memory_space<vmem>>[vector<16xi32>, vector<16xi32>], vector<16xf32>,
      %gather3A_217 = tpu.vector_load_idx %arg11[%add3A_213, %broadcast_in_dim3A_5] : memref<128x8xf32, #tpu.memory_space<vmem>>[vector<16xi32>, vector<16xi32>], vector<16xf32>,
      %gather3A_218 = tpu.vector_load_idx %arg11[%add3A_213, %add3A_8] : memref<128x8xf32, #tpu.memory_space<vmem>>[vector<16xi32>, vector<16xi32>], vector<16xf32>,
      %gather3A_219 = tpu.vector_load_idx %arg11[%add3A_213, %add3A_11] : memref<128x8xf32, #tpu.memory_space<vmem>>[vector<16xi32>, vector<16xi32>], vector<16xf32>,
      %sub3A_220 = arith.subf %gather3A_214, %gather3A_217 : vector<16xf32>
      %sub3A_221 = arith.subf %gather3A_215, %gather3A_218 : vector<16xf32>
      %sub3A_222 = arith.subf %gather3A_216, %gather3A_219 : vector<16xf32>
      %mul3A_223 = arith.mulf %sub3A_220, %sub3A_220 : vector<16xf32>
      %mul3A_224 = arith.mulf %sub3A_221, %sub3A_221 : vector<16xf32>
      %add3A_225 = arith.addf %mul3A_223, %mul3A_224 : vector<16xf32>
      %mul3A_226 = arith.mulf %sub3A_222, %sub3A_222 : vector<16xf32>
      %add3A_227 = arith.addf %add3A_225, %mul3A_226 : vector<16xf32>
      %eq3A_228 = arith.constant 0.000000e+00 : f32
      %eq3A_229 = vector.broadcast %eq3A_228 : f32 to vector<16xf32>
      %eq3A_230 = arith.cmpf oeq, %add3A_227, %eq3A_229 : vector<16xf32>
      %jit3A_231 = arith.constant 1.000000e+00 : f32
      %broadcast_in_dim3A_232 = vector.broadcast %jit3A_231 : f32 to vector<16xf32>
      %select_n3A_233 = arith.select %eq3A_230, %broadcast_in_dim3A_232, %add3A_227 : vector<16xi1>, vector<16xf32>
      %div3A_234 = arith.constant 1.000000e+00 : f32
      %div3A_235 = vector.broadcast %div3A_234 : f32 to vector<16xf32>
      %div3A_236 = arith.divf %div3A_235, %select_n3A_233 : vector<16xf32>
      %mul3A_237 = arith.mulf %div3A_236, %div3A_236 : vector<16xf32>
      %mul3A_238 = arith.mulf %mul3A_237, %div3A_236 : vector<16xf32>
      %mul3A_239 = arith.mulf %mul3A_237, %mul3A_237 : vector<16xf32>
      %jit3A_240 = arith.constant 0.000000e+00 : f32
      %broadcast_in_dim3A_241 = vector.broadcast %jit3A_240 : f32 to vector<16xf32>
      %select_n3A_242 = arith.select %eq3A_230, %broadcast_in_dim3A_241, %mul3A_239 : vector<16xi1>, vector<16xf32>
      %mul3A_243 = arith.constant 4.800000e+01 : f32
      %mul3A_244 = vector.broadcast %mul3A_243 : f32 to vector<16xf32>
      %mul3A_245 = arith.mulf %mul3A_244, %mul3A_238 : vector<16xf32>
      %sub3A_246 = arith.constant 2.400000e+01 : f32
      %sub3A_247 = vector.broadcast %sub3A_246 : f32 to vector<16xf32>
      %sub3A_248 = arith.subf %mul3A_245, %sub3A_247 : vector<16xf32>
      %mul3A_249 = arith.mulf %sub3A_220, %select_n3A_242 : vector<16xf32>
      %mul3A_250 = arith.mulf %mul3A_249, %sub3A_248 : vector<16xf32>
      tpu.vector_store_idx %arg12[%add3A_213, %broadcast_in_dim3A_5], %mul3A_250 : memref<128x8xf32, #tpu.memory_space<vmem>>[vector<16xi32>, vector<16xi32>], vector<16xf32>,
      %mul3A_251 = arith.mulf %sub3A_221, %select_n3A_242 : vector<16xf32>
      %mul3A_252 = arith.mulf %mul3A_251, %sub3A_248 : vector<16xf32>
      tpu.vector_store_idx %arg12[%add3A_213, %add3A_8], %mul3A_252 : memref<128x8xf32, #tpu.memory_space<vmem>>[vector<16xi32>, vector<16xi32>], vector<16xf32>,
      %mul3A_253 = arith.mulf %sub3A_222, %select_n3A_242 : vector<16xf32>
      %mul3A_254 = arith.mulf %mul3A_253, %sub3A_248 : vector<16xf32>
      tpu.vector_store_idx %arg12[%add3A_213, %add3A_11], %mul3A_254 : memref<128x8xf32, #tpu.memory_space<vmem>>[vector<16xi32>, vector<16xi32>], vector<16xf32>,
      %add3A_255 = arith.constant 64 : i32
      %add3A_256 = vector.broadcast %add3A_255 : i32 to vector<16xi32>
      %add3A_257 = arith.addi %add3A_256, %iota3A : vector<16xi32>
      %gather3A_258 = tpu.vector_load_idx %arg10[%add3A_257, %broadcast_in_dim3A_5] : memref<128x8xf32, #tpu.memory_space<vmem>>[vector<16xi32>, vector<16xi32>], vector<16xf32>,
      %gather3A_259 = tpu.vector_load_idx %arg10[%add3A_257, %add3A_8] : memref<128x8xf32, #tpu.memory_space<vmem>>[vector<16xi32>, vector<16xi32>], vector<16xf32>,
      %gather3A_260 = tpu.vector_load_idx %arg10[%add3A_257, %add3A_11] : memref<128x8xf32, #tpu.memory_space<vmem>>[vector<16xi32>, vector<16xi32>], vector<16xf32>,
      %gather3A_261 = tpu.vector_load_idx %arg11[%add3A_257, %broadcast_in_dim3A_5] : memref<128x8xf32, #tpu.memory_space<vmem>>[vector<16xi32>, vector<16xi32>], vector<16xf32>,
      %gather3A_262 = tpu.vector_load_idx %arg11[%add3A_257, %add3A_8] : memref<128x8xf32, #tpu.memory_space<vmem>>[vector<16xi32>, vector<16xi32>], vector<16xf32>,
      %gather3A_263 = tpu.vector_load_idx %arg11[%add3A_257, %add3A_11] : memref<128x8xf32, #tpu.memory_space<vmem>>[vector<16xi32>, vector<16xi32>], vector<16xf32>,
      %sub3A_264 = arith.subf %gather3A_258, %gather3A_261 : vector<16xf32>
      %sub3A_265 = arith.subf %gather3A_259, %gather3A_262 : vector<16xf32>
      %sub3A_266 = arith.subf %gather3A_260, %gather3A_263 : vector<16xf32>
      %mul3A_267 = arith.mulf %sub3A_264, %sub3A_264 : vector<16xf32>
      %mul3A_268 = arith.mulf %sub3A_265, %sub3A_265 : vector<16xf32>
      %add3A_269 = arith.addf %mul3A_267, %mul3A_268 : vector<16xf32>
      %mul3A_270 = arith.mulf %sub3A_266, %sub3A_266 : vector<16xf32>
      %add3A_271 = arith.addf %add3A_269, %mul3A_270 : vector<16xf32>
      %eq3A_272 = arith.constant 0.000000e+00 : f32
      %eq3A_273 = vector.broadcast %eq3A_272 : f32 to vector<16xf32>
      %eq3A_274 = arith.cmpf oeq, %add3A_271, %eq3A_273 : vector<16xf32>
      %jit3A_275 = arith.constant 1.000000e+00 : f32
      %broadcast_in_dim3A_276 = vector.broadcast %jit3A_275 : f32 to vector<16xf32>
      %select_n3A_277 = arith.select %eq3A_274, %broadcast_in_dim3A_276, %add3A_271 : vector<16xi1>, vector<16xf32>
      %div3A_278 = arith.constant 1.000000e+00 : f32
      %div3A_279 = vector.broadcast %div3A_278 : f32 to vector<16xf32>
      %div3A_280 = arith.divf %div3A_279, %select_n3A_277 : vector<16xf32>
      %mul3A_281 = arith.mulf %div3A_280, %div3A_280 : vector<16xf32>
      %mul3A_282 = arith.mulf %mul3A_281, %div3A_280 : vector<16xf32>
      %mul3A_283 = arith.mulf %mul3A_281, %mul3A_281 : vector<16xf32>
      %jit3A_284 = arith.constant 0.000000e+00 : f32
      %broadcast_in_dim3A_285 = vector.broadcast %jit3A_284 : f32 to vector<16xf32>
      %select_n3A_286 = arith.select %eq3A_274, %broadcast_in_dim3A_285, %mul3A_283 : vector<16xi1>, vector<16xf32>
      %mul3A_287 = arith.constant 4.800000e+01 : f32
      %mul3A_288 = vector.broadcast %mul3A_287 : f32 to vector<16xf32>
      %mul3A_289 = arith.mulf %mul3A_288, %mul3A_282 : vector<16xf32>
      %sub3A_290 = arith.constant 2.400000e+01 : f32
      %sub3A_291 = vector.broadcast %sub3A_290 : f32 to vector<16xf32>
      %sub3A_292 = arith.subf %mul3A_289, %sub3A_291 : vector<16xf32>
      %mul3A_293 = arith.mulf %sub3A_264, %select_n3A_286 : vector<16xf32>
      %mul3A_294 = arith.mulf %mul3A_293, %sub3A_292 : vector<16xf32>
      tpu.vector_store_idx %arg12[%add3A_257, %broadcast_in_dim3A_5], %mul3A_294 : memref<128x8xf32, #tpu.memory_space<vmem>>[vector<16xi32>, vector<16xi32>], vector<16xf32>,
      %mul3A_295 = arith.mulf %sub3A_265, %select_n3A_286 : vector<16xf32>
      %mul3A_296 = arith.mulf %mul3A_295, %sub3A_292 : vector<16xf32>
      tpu.vector_store_idx %arg12[%add3A_257, %add3A_8], %mul3A_296 : memref<128x8xf32, #tpu.memory_space<vmem>>[vector<16xi32>, vector<16xi32>], vector<16xf32>,
      %mul3A_297 = arith.mulf %sub3A_266, %select_n3A_286 : vector<16xf32>
      %mul3A_298 = arith.mulf %mul3A_297, %sub3A_292 : vector<16xf32>
      tpu.vector_store_idx %arg12[%add3A_257, %add3A_11], %mul3A_298 : memref<128x8xf32, #tpu.memory_space<vmem>>[vector<16xi32>, vector<16xi32>], vector<16xf32>,
      %add3A_299 = arith.constant 80 : i32
      %add3A_300 = vector.broadcast %add3A_299 : i32 to vector<16xi32>
      %add3A_301 = arith.addi %add3A_300, %iota3A : vector<16xi32>
      %gather3A_302 = tpu.vector_load_idx %arg10[%add3A_301, %broadcast_in_dim3A_5] : memref<128x8xf32, #tpu.memory_space<vmem>>[vector<16xi32>, vector<16xi32>], vector<16xf32>,
      %gather3A_303 = tpu.vector_load_idx %arg10[%add3A_301, %add3A_8] : memref<128x8xf32, #tpu.memory_space<vmem>>[vector<16xi32>, vector<16xi32>], vector<16xf32>,
      %gather3A_304 = tpu.vector_load_idx %arg10[%add3A_301, %add3A_11] : memref<128x8xf32, #tpu.memory_space<vmem>>[vector<16xi32>, vector<16xi32>], vector<16xf32>,
      %gather3A_305 = tpu.vector_load_idx %arg11[%add3A_301, %broadcast_in_dim3A_5] : memref<128x8xf32, #tpu.memory_space<vmem>>[vector<16xi32>, vector<16xi32>], vector<16xf32>,
      %gather3A_306 = tpu.vector_load_idx %arg11[%add3A_301, %add3A_8] : memref<128x8xf32, #tpu.memory_space<vmem>>[vector<16xi32>, vector<16xi32>], vector<16xf32>,
      %gather3A_307 = tpu.vector_load_idx %arg11[%add3A_301, %add3A_11] : memref<128x8xf32, #tpu.memory_space<vmem>>[vector<16xi32>, vector<16xi32>], vector<16xf32>,
      %sub3A_308 = arith.subf %gather3A_302, %gather3A_305 : vector<16xf32>
      %sub3A_309 = arith.subf %gather3A_303, %gather3A_306 : vector<16xf32>
      %sub3A_310 = arith.subf %gather3A_304, %gather3A_307 : vector<16xf32>
      %mul3A_311 = arith.mulf %sub3A_308, %sub3A_308 : vector<16xf32>
      %mul3A_312 = arith.mulf %sub3A_309, %sub3A_309 : vector<16xf32>
      %add3A_313 = arith.addf %mul3A_311, %mul3A_312 : vector<16xf32>
      %mul3A_314 = arith.mulf %sub3A_310, %sub3A_310 : vector<16xf32>
      %add3A_315 = arith.addf %add3A_313, %mul3A_314 : vector<16xf32>
      %eq3A_316 = arith.constant 0.000000e+00 : f32
      %eq3A_317 = vector.broadcast %eq3A_316 : f32 to vector<16xf32>
      %eq3A_318 = arith.cmpf oeq, %add3A_315, %eq3A_317 : vector<16xf32>
      %jit3A_319 = arith.constant 1.000000e+00 : f32
      %broadcast_in_dim3A_320 = vector.broadcast %jit3A_319 : f32 to vector<16xf32>
      %select_n3A_321 = arith.select %eq3A_318, %broadcast_in_dim3A_320, %add3A_315 : vector<16xi1>, vector<16xf32>
      %div3A_322 = arith.constant 1.000000e+00 : f32
      %div3A_323 = vector.broadcast %div3A_322 : f32 to vector<16xf32>
      %div3A_324 = arith.divf %div3A_323, %select_n3A_321 : vector<16xf32>
      %mul3A_325 = arith.mulf %div3A_324, %div3A_324 : vector<16xf32>
      %mul3A_326 = arith.mulf %mul3A_325, %div3A_324 : vector<16xf32>
      %mul3A_327 = arith.mulf %mul3A_325, %mul3A_325 : vector<16xf32>
      %jit3A_328 = arith.constant 0.000000e+00 : f32
      %broadcast_in_dim3A_329 = vector.broadcast %jit3A_328 : f32 to vector<16xf32>
      %select_n3A_330 = arith.select %eq3A_318, %broadcast_in_dim3A_329, %mul3A_327 : vector<16xi1>, vector<16xf32>
      %mul3A_331 = arith.constant 4.800000e+01 : f32
      %mul3A_332 = vector.broadcast %mul3A_331 : f32 to vector<16xf32>
      %mul3A_333 = arith.mulf %mul3A_332, %mul3A_326 : vector<16xf32>
      %sub3A_334 = arith.constant 2.400000e+01 : f32
      %sub3A_335 = vector.broadcast %sub3A_334 : f32 to vector<16xf32>
      %sub3A_336 = arith.subf %mul3A_333, %sub3A_335 : vector<16xf32>
      %mul3A_337 = arith.mulf %sub3A_308, %select_n3A_330 : vector<16xf32>
      %mul3A_338 = arith.mulf %mul3A_337, %sub3A_336 : vector<16xf32>
      tpu.vector_store_idx %arg12[%add3A_301, %broadcast_in_dim3A_5], %mul3A_338 : memref<128x8xf32, #tpu.memory_space<vmem>>[vector<16xi32>, vector<16xi32>], vector<16xf32>,
      %mul3A_339 = arith.mulf %sub3A_309, %select_n3A_330 : vector<16xf32>
      %mul3A_340 = arith.mulf %mul3A_339, %sub3A_336 : vector<16xf32>
      tpu.vector_store_idx %arg12[%add3A_301, %add3A_8], %mul3A_340 : memref<128x8xf32, #tpu.memory_space<vmem>>[vector<16xi32>, vector<16xi32>], vector<16xf32>,
      %mul3A_341 = arith.mulf %sub3A_310, %select_n3A_330 : vector<16xf32>
      %mul3A_342 = arith.mulf %mul3A_341, %sub3A_336 : vector<16xf32>
      tpu.vector_store_idx %arg12[%add3A_301, %add3A_11], %mul3A_342 : memref<128x8xf32, #tpu.memory_space<vmem>>[vector<16xi32>, vector<16xi32>], vector<16xf32>,
      %add3A_343 = arith.constant 96 : i32
      %add3A_344 = vector.broadcast %add3A_343 : i32 to vector<16xi32>
      %add3A_345 = arith.addi %add3A_344, %iota3A : vector<16xi32>
      %gather3A_346 = tpu.vector_load_idx %arg10[%add3A_345, %broadcast_in_dim3A_5] : memref<128x8xf32, #tpu.memory_space<vmem>>[vector<16xi32>, vector<16xi32>], vector<16xf32>,
      %gather3A_347 = tpu.vector_load_idx %arg10[%add3A_345, %add3A_8] : memref<128x8xf32, #tpu.memory_space<vmem>>[vector<16xi32>, vector<16xi32>], vector<16xf32>,
      %gather3A_348 = tpu.vector_load_idx %arg10[%add3A_345, %add3A_11] : memref<128x8xf32, #tpu.memory_space<vmem>>[vector<16xi32>, vector<16xi32>], vector<16xf32>,
      %gather3A_349 = tpu.vector_load_idx %arg11[%add3A_345, %broadcast_in_dim3A_5] : memref<128x8xf32, #tpu.memory_space<vmem>>[vector<16xi32>, vector<16xi32>], vector<16xf32>,
      %gather3A_350 = tpu.vector_load_idx %arg11[%add3A_345, %add3A_8] : memref<128x8xf32, #tpu.memory_space<vmem>>[vector<16xi32>, vector<16xi32>], vector<16xf32>,
      %gather3A_351 = tpu.vector_load_idx %arg11[%add3A_345, %add3A_11] : memref<128x8xf32, #tpu.memory_space<vmem>>[vector<16xi32>, vector<16xi32>], vector<16xf32>,
      %sub3A_352 = arith.subf %gather3A_346, %gather3A_349 : vector<16xf32>
      %sub3A_353 = arith.subf %gather3A_347, %gather3A_350 : vector<16xf32>
      %sub3A_354 = arith.subf %gather3A_348, %gather3A_351 : vector<16xf32>
      %mul3A_355 = arith.mulf %sub3A_352, %sub3A_352 : vector<16xf32>
      %mul3A_356 = arith.mulf %sub3A_353, %sub3A_353 : vector<16xf32>
      %add3A_357 = arith.addf %mul3A_355, %mul3A_356 : vector<16xf32>
      %mul3A_358 = arith.mulf %sub3A_354, %sub3A_354 : vector<16xf32>
      %add3A_359 = arith.addf %add3A_357, %mul3A_358 : vector<16xf32>
      %eq3A_360 = arith.constant 0.000000e+00 : f32
      %eq3A_361 = vector.broadcast %eq3A_360 : f32 to vector<16xf32>
      %eq3A_362 = arith.cmpf oeq, %add3A_359, %eq3A_361 : vector<16xf32>
      %jit3A_363 = arith.constant 1.000000e+00 : f32
      %broadcast_in_dim3A_364 = vector.broadcast %jit3A_363 : f32 to vector<16xf32>
      %select_n3A_365 = arith.select %eq3A_362, %broadcast_in_dim3A_364, %add3A_359 : vector<16xi1>, vector<16xf32>
      %div3A_366 = arith.constant 1.000000e+00 : f32
      %div3A_367 = vector.broadcast %div3A_366 : f32 to vector<16xf32>
      %div3A_368 = arith.divf %div3A_367, %select_n3A_365 : vector<16xf32>
      %mul3A_369 = arith.mulf %div3A_368, %div3A_368 : vector<16xf32>
      %mul3A_370 = arith.mulf %mul3A_369, %div3A_368 : vector<16xf32>
      %mul3A_371 = arith.mulf %mul3A_369, %mul3A_369 : vector<16xf32>
      %jit3A_372 = arith.constant 0.000000e+00 : f32
      %broadcast_in_dim3A_373 = vector.broadcast %jit3A_372 : f32 to vector<16xf32>
      %select_n3A_374 = arith.select %eq3A_362, %broadcast_in_dim3A_373, %mul3A_371 : vector<16xi1>, vector<16xf32>
      %mul3A_375 = arith.constant 4.800000e+01 : f32
      %mul3A_376 = vector.broadcast %mul3A_375 : f32 to vector<16xf32>
      %mul3A_377 = arith.mulf %mul3A_376, %mul3A_370 : vector<16xf32>
      %sub3A_378 = arith.constant 2.400000e+01 : f32
      %sub3A_379 = vector.broadcast %sub3A_378 : f32 to vector<16xf32>
      %sub3A_380 = arith.subf %mul3A_377, %sub3A_379 : vector<16xf32>
      %mul3A_381 = arith.mulf %sub3A_352, %select_n3A_374 : vector<16xf32>
      %mul3A_382 = arith.mulf %mul3A_381, %sub3A_380 : vector<16xf32>
      tpu.vector_store_idx %arg12[%add3A_345, %broadcast_in_dim3A_5], %mul3A_382 : memref<128x8xf32, #tpu.memory_space<vmem>>[vector<16xi32>, vector<16xi32>], vector<16xf32>,
      %mul3A_383 = arith.mulf %sub3A_353, %select_n3A_374 : vector<16xf32>
      %mul3A_384 = arith.mulf %mul3A_383, %sub3A_380 : vector<16xf32>
      tpu.vector_store_idx %arg12[%add3A_345, %add3A_8], %mul3A_384 : memref<128x8xf32, #tpu.memory_space<vmem>>[vector<16xi32>, vector<16xi32>], vector<16xf32>,
      %mul3A_385 = arith.mulf %sub3A_354, %select_n3A_374 : vector<16xf32>
      %mul3A_386 = arith.mulf %mul3A_385, %sub3A_380 : vector<16xf32>
      tpu.vector_store_idx %arg12[%add3A_345, %add3A_11], %mul3A_386 : memref<128x8xf32, #tpu.memory_space<vmem>>[vector<16xi32>, vector<16xi32>], vector<16xf32>,
      %add3A_387 = arith.constant 112 : i32
      %add3A_388 = vector.broadcast %add3A_387 : i32 to vector<16xi32>
      %add3A_389 = arith.addi %add3A_388, %iota3A : vector<16xi32>
      %gather3A_390 = tpu.vector_load_idx %arg10[%add3A_389, %broadcast_in_dim3A_5] : memref<128x8xf32, #tpu.memory_space<vmem>>[vector<16xi32>, vector<16xi32>], vector<16xf32>,
      %gather3A_391 = tpu.vector_load_idx %arg10[%add3A_389, %add3A_8] : memref<128x8xf32, #tpu.memory_space<vmem>>[vector<16xi32>, vector<16xi32>], vector<16xf32>,
      %gather3A_392 = tpu.vector_load_idx %arg10[%add3A_389, %add3A_11] : memref<128x8xf32, #tpu.memory_space<vmem>>[vector<16xi32>, vector<16xi32>], vector<16xf32>,
      %gather3A_393 = tpu.vector_load_idx %arg11[%add3A_389, %broadcast_in_dim3A_5] : memref<128x8xf32, #tpu.memory_space<vmem>>[vector<16xi32>, vector<16xi32>], vector<16xf32>,
      %gather3A_394 = tpu.vector_load_idx %arg11[%add3A_389, %add3A_8] : memref<128x8xf32, #tpu.memory_space<vmem>>[vector<16xi32>, vector<16xi32>], vector<16xf32>,
      %gather3A_395 = tpu.vector_load_idx %arg11[%add3A_389, %add3A_11] : memref<128x8xf32, #tpu.memory_space<vmem>>[vector<16xi32>, vector<16xi32>], vector<16xf32>,
      %sub3A_396 = arith.subf %gather3A_390, %gather3A_393 : vector<16xf32>
      %sub3A_397 = arith.subf %gather3A_391, %gather3A_394 : vector<16xf32>
      %sub3A_398 = arith.subf %gather3A_392, %gather3A_395 : vector<16xf32>
      %mul3A_399 = arith.mulf %sub3A_396, %sub3A_396 : vector<16xf32>
      %mul3A_400 = arith.mulf %sub3A_397, %sub3A_397 : vector<16xf32>
      %add3A_401 = arith.addf %mul3A_399, %mul3A_400 : vector<16xf32>
      %mul3A_402 = arith.mulf %sub3A_398, %sub3A_398 : vector<16xf32>
      %add3A_403 = arith.addf %add3A_401, %mul3A_402 : vector<16xf32>
      %eq3A_404 = arith.constant 0.000000e+00 : f32
      %eq3A_405 = vector.broadcast %eq3A_404 : f32 to vector<16xf32>
      %eq3A_406 = arith.cmpf oeq, %add3A_403, %eq3A_405 : vector<16xf32>
      %jit3A_407 = arith.constant 1.000000e+00 : f32
      %broadcast_in_dim3A_408 = vector.broadcast %jit3A_407 : f32 to vector<16xf32>
      %select_n3A_409 = arith.select %eq3A_406, %broadcast_in_dim3A_408, %add3A_403 : vector<16xi1>, vector<16xf32>
      %div3A_410 = arith.constant 1.000000e+00 : f32
      %div3A_411 = vector.broadcast %div3A_410 : f32 to vector<16xf32>
      %div3A_412 = arith.divf %div3A_411, %select_n3A_409 : vector<16xf32>
      %mul3A_413 = arith.mulf %div3A_412, %div3A_412 : vector<16xf32>
      %mul3A_414 = arith.mulf %mul3A_413, %div3A_412 : vector<16xf32>
      %mul3A_415 = arith.mulf %mul3A_413, %mul3A_413 : vector<16xf32>
      %jit3A_416 = arith.constant 0.000000e+00 : f32
      %broadcast_in_dim3A_417 = vector.broadcast %jit3A_416 : f32 to vector<16xf32>
      %select_n3A_418 = arith.select %eq3A_406, %broadcast_in_dim3A_417, %mul3A_415 : vector<16xi1>, vector<16xf32>
      %mul3A_419 = arith.constant 4.800000e+01 : f32
      %mul3A_420 = vector.broadcast %mul3A_419 : f32 to vector<16xf32>
      %mul3A_421 = arith.mulf %mul3A_420, %mul3A_414 : vector<16xf32>
      %sub3A_422 = arith.constant 2.400000e+01 : f32
      %sub3A_423 = vector.broadcast %sub3A_422 : f32 to vector<16xf32>
      %sub3A_424 = arith.subf %mul3A_421, %sub3A_423 : vector<16xf32>
      %mul3A_425 = arith.mulf %sub3A_396, %select_n3A_418 : vector<16xf32>
      %mul3A_426 = arith.mulf %mul3A_425, %sub3A_424 : vector<16xf32>
      tpu.vector_store_idx %arg12[%add3A_389, %broadcast_in_dim3A_5], %mul3A_426 : memref<128x8xf32, #tpu.memory_space<vmem>>[vector<16xi32>, vector<16xi32>], vector<16xf32>,
      %mul3A_427 = arith.mulf %sub3A_397, %select_n3A_418 : vector<16xf32>
      %mul3A_428 = arith.mulf %mul3A_427, %sub3A_424 : vector<16xf32>
      tpu.vector_store_idx %arg12[%add3A_389, %add3A_8], %mul3A_428 : memref<128x8xf32, #tpu.memory_space<vmem>>[vector<16xi32>, vector<16xi32>], vector<16xf32>,
      %mul3A_429 = arith.mulf %sub3A_398, %select_n3A_418 : vector<16xf32>
      %mul3A_430 = arith.mulf %mul3A_429, %sub3A_424 : vector<16xf32>
      tpu.vector_store_idx %arg12[%add3A_389, %add3A_11], %mul3A_430 : memref<128x8xf32, #tpu.memory_space<vmem>>[vector<16xi32>, vector<16xi32>], vector<16xf32>,
      "tpu.region"() ({
        %run_scoped3A_431 = tpu.sem_alloc : memref<!tpu.dma_semaphore, #tpu.memory_space<semaphore_mem>>
        %dma_start3A = arith.constant 0 : i32
        %dma_start3A_432 = arith.constant 0 : i32
        %dma_start3A_433 = tpu.memref_slice %arg6[%dma_start3A, %dma_start3A_432] : memref<200000x8xf32, #tpu.memory_space<vmem_shared>> -> memref<200000x8xf32, #tpu.memory_space<vmem_shared>>
        tpu.enqueue_indirect_dma source(%arg12 : memref<128x8xf32, #tpu.memory_space<vmem>>) target(%dma_start3A_433 : memref<200000x8xf32, #tpu.memory_space<vmem_shared>>) offsets(%arg9 : memref<128xi32, #tpu.memory_space<vmem>>) semaphore(%run_scoped3A_431 : memref<!tpu.dma_semaphore, #tpu.memory_space<semaphore_mem>>) {add = true}
        %dma_wait3A = arith.constant 0 : i32
        %dma_wait3A_434 = arith.constant 0 : i32
        %dma_wait3A_435 = tpu.memref_slice %arg6[%dma_wait3A, %dma_wait3A_434] : memref<200000x8xf32, #tpu.memory_space<vmem_shared>> -> memref<200000x8xf32, #tpu.memory_space<vmem_shared>>
        tpu.wait_indirect_dma semaphore(%run_scoped3A_431 : memref<!tpu.dma_semaphore, #tpu.memory_space<semaphore_mem>>) src(%arg12 : memref<128x8xf32, #tpu.memory_space<vmem>>) dst(%dma_wait3A_435 : memref<200000x8xf32, #tpu.memory_space<vmem_shared>>)
        tpu.yield
      }) : () -> ()
    }
    %scan3A_16 = arith.constant 781 : i32
    %lt3A = arith.constant 8 : i32
    %lt3A_17 = arith.cmpi slt, %add3A, %lt3A : i32
    %convert_element_type3A_18 = arith.extui %lt3A_17 : i1 to i32
    %cond3A_19 = arith.constant 0 : i32
    %cond3A_20 = arith.cmpi ne, %convert_element_type3A_18, %cond3A_19 : i32
    scf.if %cond3A_20 {
      %add3A_27 = arith.constant 24992 : i32
      %add3A_28 = arith.addi %add3A_27, %add3A : i32
      %run_scoped3A = arith.constant 0 : i32
      "tpu.region"() ({
        %run_scoped3A_431 = tpu.sem_alloc : memref<!tpu.dma_semaphore, #tpu.memory_space<semaphore_mem>>
        %dma_start3A = arith.constant 0 : i32
        %dma_start3A_432 = tpu.memref_slice %arg4[%run_scoped3A, %add3A_28, %dma_start3A] : memref<2x25000x128xi32, #tpu.memory_space<hbm>> -> memref<1x1x128xi32, #tpu.memory_space<hbm>>
        %dma_start3A_433 = tpu.memref_squeeze %dma_start3A_432 : memref<1x1x128xi32, #tpu.memory_space<hbm>> -> memref<128xi32, #tpu.memory_space<hbm>>
        %dma_start3A_434 = arith.constant 0 : i32
        %dma_start3A_435 = tpu.memref_slice %arg4[%run_scoped3A, %add3A_28, %dma_start3A_434] : memref<2x25000x128xi32, #tpu.memory_space<hbm>> -> memref<1x1x128xi32, #tpu.memory_space<hbm>>
        %dma_start3A_436 = tpu.memref_squeeze %dma_start3A_435 : memref<1x1x128xi32, #tpu.memory_space<hbm>> -> memref<128xi32, #tpu.memory_space<hbm>>
        tpu.enqueue_dma source(%dma_start3A_436 : memref<128xi32, #tpu.memory_space<hbm>>) target(%arg7 : memref<128xi32, #tpu.memory_space<vmem>>) target_semaphore(%run_scoped3A_431 : memref<!tpu.dma_semaphore, #tpu.memory_space<semaphore_mem>>)
        %dma_wait3A = arith.constant 0 : i32
        %dma_wait3A_437 = tpu.memref_slice %arg4[%run_scoped3A, %add3A_28, %dma_wait3A] : memref<2x25000x128xi32, #tpu.memory_space<hbm>> -> memref<1x1x128xi32, #tpu.memory_space<hbm>>
        %dma_wait3A_438 = tpu.memref_squeeze %dma_wait3A_437 : memref<1x1x128xi32, #tpu.memory_space<hbm>> -> memref<128xi32, #tpu.memory_space<hbm>>
        %dma_wait3A_439 = arith.constant 0 : i32
        %dma_wait3A_440 = tpu.memref_slice %arg4[%run_scoped3A, %add3A_28, %dma_wait3A_439] : memref<2x25000x128xi32, #tpu.memory_space<hbm>> -> memref<1x1x128xi32, #tpu.memory_space<hbm>>
        %dma_wait3A_441 = tpu.memref_squeeze %dma_wait3A_440 : memref<1x1x128xi32, #tpu.memory_space<hbm>> -> memref<128xi32, #tpu.memory_space<hbm>>
        tpu.wait_dma2 semaphore(%run_scoped3A_431 : memref<!tpu.dma_semaphore, #tpu.memory_space<semaphore_mem>>) src(%dma_wait3A_441 : memref<128xi32, #tpu.memory_space<hbm>>) dst(%arg7 : memref<128xi32, #tpu.memory_space<vmem>>)
        tpu.yield
      }) : () -> ()
      %run_scoped3A_29 = arith.constant 1 : i32
      "tpu.region"() ({
        %run_scoped3A_431 = tpu.sem_alloc : memref<!tpu.dma_semaphore, #tpu.memory_space<semaphore_mem>>
        %dma_start3A = arith.constant 0 : i32
        %dma_start3A_432 = tpu.memref_slice %arg4[%run_scoped3A_29, %add3A_28, %dma_start3A] : memref<2x25000x128xi32, #tpu.memory_space<hbm>> -> memref<1x1x128xi32, #tpu.memory_space<hbm>>
        %dma_start3A_433 = tpu.memref_squeeze %dma_start3A_432 : memref<1x1x128xi32, #tpu.memory_space<hbm>> -> memref<128xi32, #tpu.memory_space<hbm>>
        %dma_start3A_434 = arith.constant 0 : i32
        %dma_start3A_435 = tpu.memref_slice %arg4[%run_scoped3A_29, %add3A_28, %dma_start3A_434] : memref<2x25000x128xi32, #tpu.memory_space<hbm>> -> memref<1x1x128xi32, #tpu.memory_space<hbm>>
        %dma_start3A_436 = tpu.memref_squeeze %dma_start3A_435 : memref<1x1x128xi32, #tpu.memory_space<hbm>> -> memref<128xi32, #tpu.memory_space<hbm>>
        tpu.enqueue_dma source(%dma_start3A_436 : memref<128xi32, #tpu.memory_space<hbm>>) target(%arg8 : memref<128xi32, #tpu.memory_space<vmem>>) target_semaphore(%run_scoped3A_431 : memref<!tpu.dma_semaphore, #tpu.memory_space<semaphore_mem>>)
        %dma_wait3A = arith.constant 0 : i32
        %dma_wait3A_437 = tpu.memref_slice %arg4[%run_scoped3A_29, %add3A_28, %dma_wait3A] : memref<2x25000x128xi32, #tpu.memory_space<hbm>> -> memref<1x1x128xi32, #tpu.memory_space<hbm>>
        %dma_wait3A_438 = tpu.memref_squeeze %dma_wait3A_437 : memref<1x1x128xi32, #tpu.memory_space<hbm>> -> memref<128xi32, #tpu.memory_space<hbm>>
        %dma_wait3A_439 = arith.constant 0 : i32
        %dma_wait3A_440 = tpu.memref_slice %arg4[%run_scoped3A_29, %add3A_28, %dma_wait3A_439] : memref<2x25000x128xi32, #tpu.memory_space<hbm>> -> memref<1x1x128xi32, #tpu.memory_space<hbm>>
        %dma_wait3A_441 = tpu.memref_squeeze %dma_wait3A_440 : memref<1x1x128xi32, #tpu.memory_space<hbm>> -> memref<128xi32, #tpu.memory_space<hbm>>
        tpu.wait_dma2 semaphore(%run_scoped3A_431 : memref<!tpu.dma_semaphore, #tpu.memory_space<semaphore_mem>>) src(%dma_wait3A_441 : memref<128xi32, #tpu.memory_space<hbm>>) dst(%arg8 : memref<128xi32, #tpu.memory_space<vmem>>)
        tpu.yield
      }) : () -> ()
      %get3A = arith.constant 0 : index
      %get3A_30 = tpu.vector_load %arg8[%get3A] {strides = array<i32>} : memref<128xi32, #tpu.memory_space<vmem>>, vector<16xi32>,
      %add3A_31 = arith.constant 100000 : i32
      %add3A_32 = vector.broadcast %add3A_31 : i32 to vector<16xi32>
      %add3A_33 = arith.addi %get3A_30, %add3A_32 : vector<16xi32>
      %swap3A = arith.constant 0 : index
      %swap3A_34 = tpu.vector_load %arg9[%swap3A] {strides = array<i32>} : memref<128xi32, #tpu.memory_space<vmem>>, vector<16xi32>,
      tpu.vector_store %arg9[%swap3A], %add3A_33 {strides = array<i32>} : memref<128xi32, #tpu.memory_space<vmem>>, vector<16xi32>,
      %get3A_35 = arith.constant 16 : index
      %get3A_36 = tpu.vector_load %arg8[%get3A_35] {strides = array<i32>} : memref<128xi32, #tpu.memory_space<vmem>>, vector<16xi32>,
      %add3A_37 = arith.constant 100000 : i32
      %add3A_38 = vector.broadcast %add3A_37 : i32 to vector<16xi32>
      %add3A_39 = arith.addi %get3A_36, %add3A_38 : vector<16xi32>
      %swap3A_40 = arith.constant 16 : index
      %swap3A_41 = tpu.vector_load %arg9[%swap3A_40] {strides = array<i32>} : memref<128xi32, #tpu.memory_space<vmem>>, vector<16xi32>,
      tpu.vector_store %arg9[%swap3A_40], %add3A_39 {strides = array<i32>} : memref<128xi32, #tpu.memory_space<vmem>>, vector<16xi32>,
      %get3A_42 = arith.constant 32 : index
      %get3A_43 = tpu.vector_load %arg8[%get3A_42] {strides = array<i32>} : memref<128xi32, #tpu.memory_space<vmem>>, vector<16xi32>,
      %add3A_44 = arith.constant 100000 : i32
      %add3A_45 = vector.broadcast %add3A_44 : i32 to vector<16xi32>
      %add3A_46 = arith.addi %get3A_43, %add3A_45 : vector<16xi32>
      %swap3A_47 = arith.constant 32 : index
      %swap3A_48 = tpu.vector_load %arg9[%swap3A_47] {strides = array<i32>} : memref<128xi32, #tpu.memory_space<vmem>>, vector<16xi32>,
      tpu.vector_store %arg9[%swap3A_47], %add3A_46 {strides = array<i32>} : memref<128xi32, #tpu.memory_space<vmem>>, vector<16xi32>,
      %get3A_49 = arith.constant 48 : index
      %get3A_50 = tpu.vector_load %arg8[%get3A_49] {strides = array<i32>} : memref<128xi32, #tpu.memory_space<vmem>>, vector<16xi32>,
      %add3A_51 = arith.constant 100000 : i32
      %add3A_52 = vector.broadcast %add3A_51 : i32 to vector<16xi32>
      %add3A_53 = arith.addi %get3A_50, %add3A_52 : vector<16xi32>
      %swap3A_54 = arith.constant 48 : index
      %swap3A_55 = tpu.vector_load %arg9[%swap3A_54] {strides = array<i32>} : memref<128xi32, #tpu.memory_space<vmem>>, vector<16xi32>,
      tpu.vector_store %arg9[%swap3A_54], %add3A_53 {strides = array<i32>} : memref<128xi32, #tpu.memory_space<vmem>>, vector<16xi32>,
      %get3A_56 = arith.constant 64 : index
      %get3A_57 = tpu.vector_load %arg8[%get3A_56] {strides = array<i32>} : memref<128xi32, #tpu.memory_space<vmem>>, vector<16xi32>,
      %add3A_58 = arith.constant 100000 : i32
      %add3A_59 = vector.broadcast %add3A_58 : i32 to vector<16xi32>
      %add3A_60 = arith.addi %get3A_57, %add3A_59 : vector<16xi32>
      %swap3A_61 = arith.constant 64 : index
      %swap3A_62 = tpu.vector_load %arg9[%swap3A_61] {strides = array<i32>} : memref<128xi32, #tpu.memory_space<vmem>>, vector<16xi32>,
      tpu.vector_store %arg9[%swap3A_61], %add3A_60 {strides = array<i32>} : memref<128xi32, #tpu.memory_space<vmem>>, vector<16xi32>,
      %get3A_63 = arith.constant 80 : index
      %get3A_64 = tpu.vector_load %arg8[%get3A_63] {strides = array<i32>} : memref<128xi32, #tpu.memory_space<vmem>>, vector<16xi32>,
      %add3A_65 = arith.constant 100000 : i32
      %add3A_66 = vector.broadcast %add3A_65 : i32 to vector<16xi32>
      %add3A_67 = arith.addi %get3A_64, %add3A_66 : vector<16xi32>
      %swap3A_68 = arith.constant 80 : index
      %swap3A_69 = tpu.vector_load %arg9[%swap3A_68] {strides = array<i32>} : memref<128xi32, #tpu.memory_space<vmem>>, vector<16xi32>,
      tpu.vector_store %arg9[%swap3A_68], %add3A_67 {strides = array<i32>} : memref<128xi32, #tpu.memory_space<vmem>>, vector<16xi32>,
      %get3A_70 = arith.constant 96 : index
      %get3A_71 = tpu.vector_load %arg8[%get3A_70] {strides = array<i32>} : memref<128xi32, #tpu.memory_space<vmem>>, vector<16xi32>,
      %add3A_72 = arith.constant 100000 : i32
      %add3A_73 = vector.broadcast %add3A_72 : i32 to vector<16xi32>
      %add3A_74 = arith.addi %get3A_71, %add3A_73 : vector<16xi32>
      %swap3A_75 = arith.constant 96 : index
      %swap3A_76 = tpu.vector_load %arg9[%swap3A_75] {strides = array<i32>} : memref<128xi32, #tpu.memory_space<vmem>>, vector<16xi32>,
      tpu.vector_store %arg9[%swap3A_75], %add3A_74 {strides = array<i32>} : memref<128xi32, #tpu.memory_space<vmem>>, vector<16xi32>,
      %get3A_77 = arith.constant 112 : index
      %get3A_78 = tpu.vector_load %arg8[%get3A_77] {strides = array<i32>} : memref<128xi32, #tpu.memory_space<vmem>>, vector<16xi32>,
      %add3A_79 = arith.constant 100000 : i32
      %add3A_80 = vector.broadcast %add3A_79 : i32 to vector<16xi32>
      %add3A_81 = arith.addi %get3A_78, %add3A_80 : vector<16xi32>
      %swap3A_82 = arith.constant 112 : index
      %swap3A_83 = tpu.vector_load %arg9[%swap3A_82] {strides = array<i32>} : memref<128xi32, #tpu.memory_space<vmem>>, vector<16xi32>,
      tpu.vector_store %arg9[%swap3A_82], %add3A_81 {strides = array<i32>} : memref<128xi32, #tpu.memory_space<vmem>>, vector<16xi32>,
      "tpu.region"() ({
        %run_scoped3A_431 = tpu.sem_alloc : memref<!tpu.dma_semaphore, #tpu.memory_space<semaphore_mem>>
        %dma_start3A = arith.constant 0 : i32
        %dma_start3A_432 = arith.constant 0 : i32
        %dma_start3A_433 = tpu.memref_slice %arg6[%dma_start3A, %dma_start3A_432] : memref<200000x8xf32, #tpu.memory_space<vmem_shared>> -> memref<200000x8xf32, #tpu.memory_space<vmem_shared>>
        tpu.enqueue_indirect_dma source(%dma_start3A_433 : memref<200000x8xf32, #tpu.memory_space<vmem_shared>>) target(%arg10 : memref<128x8xf32, #tpu.memory_space<vmem>>) offsets(%arg7 : memref<128xi32, #tpu.memory_space<vmem>>) semaphore(%run_scoped3A_431 : memref<!tpu.dma_semaphore, #tpu.memory_space<semaphore_mem>>)
        %dma_wait3A = arith.constant 0 : i32
        %dma_wait3A_434 = arith.constant 0 : i32
        %dma_wait3A_435 = tpu.memref_slice %arg6[%dma_wait3A, %dma_wait3A_434] : memref<200000x8xf32, #tpu.memory_space<vmem_shared>> -> memref<200000x8xf32, #tpu.memory_space<vmem_shared>>
        tpu.wait_indirect_dma semaphore(%run_scoped3A_431 : memref<!tpu.dma_semaphore, #tpu.memory_space<semaphore_mem>>) src(%dma_wait3A_435 : memref<200000x8xf32, #tpu.memory_space<vmem_shared>>) dst(%arg10 : memref<128x8xf32, #tpu.memory_space<vmem>>)
        tpu.yield
      }) : () -> ()
      "tpu.region"() ({
        %run_scoped3A_431 = tpu.sem_alloc : memref<!tpu.dma_semaphore, #tpu.memory_space<semaphore_mem>>
        %dma_start3A = arith.constant 0 : i32
        %dma_start3A_432 = arith.constant 0 : i32
        %dma_start3A_433 = tpu.memref_slice %arg6[%dma_start3A, %dma_start3A_432] : memref<200000x8xf32, #tpu.memory_space<vmem_shared>> -> memref<200000x8xf32, #tpu.memory_space<vmem_shared>>
        tpu.enqueue_indirect_dma source(%dma_start3A_433 : memref<200000x8xf32, #tpu.memory_space<vmem_shared>>) target(%arg11 : memref<128x8xf32, #tpu.memory_space<vmem>>) offsets(%arg8 : memref<128xi32, #tpu.memory_space<vmem>>) semaphore(%run_scoped3A_431 : memref<!tpu.dma_semaphore, #tpu.memory_space<semaphore_mem>>)
        %dma_wait3A = arith.constant 0 : i32
        %dma_wait3A_434 = arith.constant 0 : i32
        %dma_wait3A_435 = tpu.memref_slice %arg6[%dma_wait3A, %dma_wait3A_434] : memref<200000x8xf32, #tpu.memory_space<vmem_shared>> -> memref<200000x8xf32, #tpu.memory_space<vmem_shared>>
        tpu.wait_indirect_dma semaphore(%run_scoped3A_431 : memref<!tpu.dma_semaphore, #tpu.memory_space<semaphore_mem>>) src(%dma_wait3A_435 : memref<200000x8xf32, #tpu.memory_space<vmem_shared>>) dst(%arg11 : memref<128x8xf32, #tpu.memory_space<vmem>>)
        tpu.yield
      }) : () -> ()
      %add3A_84 = arith.constant 0 : i32
      %add3A_85 = vector.broadcast %add3A_84 : i32 to vector<16xi32>
      %add3A_86 = arith.addi %add3A_85, %iota3A : vector<16xi32>
      %gather3A = tpu.vector_load_idx %arg10[%add3A_86, %broadcast_in_dim3A_5] : memref<128x8xf32, #tpu.memory_space<vmem>>[vector<16xi32>, vector<16xi32>], vector<16xf32>,
      %gather3A_87 = tpu.vector_load_idx %arg10[%add3A_86, %add3A_8] : memref<128x8xf32, #tpu.memory_space<vmem>>[vector<16xi32>, vector<16xi32>], vector<16xf32>,
      %gather3A_88 = tpu.vector_load_idx %arg10[%add3A_86, %add3A_11] : memref<128x8xf32, #tpu.memory_space<vmem>>[vector<16xi32>, vector<16xi32>], vector<16xf32>,
      %gather3A_89 = tpu.vector_load_idx %arg11[%add3A_86, %broadcast_in_dim3A_5] : memref<128x8xf32, #tpu.memory_space<vmem>>[vector<16xi32>, vector<16xi32>], vector<16xf32>,
      %gather3A_90 = tpu.vector_load_idx %arg11[%add3A_86, %add3A_8] : memref<128x8xf32, #tpu.memory_space<vmem>>[vector<16xi32>, vector<16xi32>], vector<16xf32>,
      %gather3A_91 = tpu.vector_load_idx %arg11[%add3A_86, %add3A_11] : memref<128x8xf32, #tpu.memory_space<vmem>>[vector<16xi32>, vector<16xi32>], vector<16xf32>,
      %sub3A = arith.subf %gather3A, %gather3A_89 : vector<16xf32>
      %sub3A_92 = arith.subf %gather3A_87, %gather3A_90 : vector<16xf32>
      %sub3A_93 = arith.subf %gather3A_88, %gather3A_91 : vector<16xf32>
      %mul3A_94 = arith.mulf %sub3A, %sub3A : vector<16xf32>
      %mul3A_95 = arith.mulf %sub3A_92, %sub3A_92 : vector<16xf32>
      %add3A_96 = arith.addf %mul3A_94, %mul3A_95 : vector<16xf32>
      %mul3A_97 = arith.mulf %sub3A_93, %sub3A_93 : vector<16xf32>
      %add3A_98 = arith.addf %add3A_96, %mul3A_97 : vector<16xf32>
      %eq3A_99 = arith.constant 0.000000e+00 : f32
      %eq3A_100 = vector.broadcast %eq3A_99 : f32 to vector<16xf32>
      %eq3A_101 = arith.cmpf oeq, %add3A_98, %eq3A_100 : vector<16xf32>
      %jit3A = arith.constant 1.000000e+00 : f32
      %broadcast_in_dim3A_102 = vector.broadcast %jit3A : f32 to vector<16xf32>
      %select_n3A = arith.select %eq3A_101, %broadcast_in_dim3A_102, %add3A_98 : vector<16xi1>, vector<16xf32>
      %div3A = arith.constant 1.000000e+00 : f32
      %div3A_103 = vector.broadcast %div3A : f32 to vector<16xf32>
      %div3A_104 = arith.divf %div3A_103, %select_n3A : vector<16xf32>
      %mul3A_105 = arith.mulf %div3A_104, %div3A_104 : vector<16xf32>
      %mul3A_106 = arith.mulf %mul3A_105, %div3A_104 : vector<16xf32>
      %mul3A_107 = arith.mulf %mul3A_105, %mul3A_105 : vector<16xf32>
      %jit3A_108 = arith.constant 0.000000e+00 : f32
      %broadcast_in_dim3A_109 = vector.broadcast %jit3A_108 : f32 to vector<16xf32>
      %select_n3A_110 = arith.select %eq3A_101, %broadcast_in_dim3A_109, %mul3A_107 : vector<16xi1>, vector<16xf32>
      %mul3A_111 = arith.constant 4.800000e+01 : f32
      %mul3A_112 = vector.broadcast %mul3A_111 : f32 to vector<16xf32>
      %mul3A_113 = arith.mulf %mul3A_112, %mul3A_106 : vector<16xf32>
      %sub3A_114 = arith.constant 2.400000e+01 : f32
      %sub3A_115 = vector.broadcast %sub3A_114 : f32 to vector<16xf32>
      %sub3A_116 = arith.subf %mul3A_113, %sub3A_115 : vector<16xf32>
      %mul3A_117 = arith.mulf %sub3A, %select_n3A_110 : vector<16xf32>
      %mul3A_118 = arith.mulf %mul3A_117, %sub3A_116 : vector<16xf32>
      tpu.vector_store_idx %arg12[%add3A_86, %broadcast_in_dim3A_5], %mul3A_118 : memref<128x8xf32, #tpu.memory_space<vmem>>[vector<16xi32>, vector<16xi32>], vector<16xf32>,
      %mul3A_119 = arith.mulf %sub3A_92, %select_n3A_110 : vector<16xf32>
      %mul3A_120 = arith.mulf %mul3A_119, %sub3A_116 : vector<16xf32>
      tpu.vector_store_idx %arg12[%add3A_86, %add3A_8], %mul3A_120 : memref<128x8xf32, #tpu.memory_space<vmem>>[vector<16xi32>, vector<16xi32>], vector<16xf32>,
      %mul3A_121 = arith.mulf %sub3A_93, %select_n3A_110 : vector<16xf32>
      %mul3A_122 = arith.mulf %mul3A_121, %sub3A_116 : vector<16xf32>
      tpu.vector_store_idx %arg12[%add3A_86, %add3A_11], %mul3A_122 : memref<128x8xf32, #tpu.memory_space<vmem>>[vector<16xi32>, vector<16xi32>], vector<16xf32>,
      %add3A_123 = arith.constant 16 : i32
      %add3A_124 = vector.broadcast %add3A_123 : i32 to vector<16xi32>
      %add3A_125 = arith.addi %add3A_124, %iota3A : vector<16xi32>
      %gather3A_126 = tpu.vector_load_idx %arg10[%add3A_125, %broadcast_in_dim3A_5] : memref<128x8xf32, #tpu.memory_space<vmem>>[vector<16xi32>, vector<16xi32>], vector<16xf32>,
      %gather3A_127 = tpu.vector_load_idx %arg10[%add3A_125, %add3A_8] : memref<128x8xf32, #tpu.memory_space<vmem>>[vector<16xi32>, vector<16xi32>], vector<16xf32>,
      %gather3A_128 = tpu.vector_load_idx %arg10[%add3A_125, %add3A_11] : memref<128x8xf32, #tpu.memory_space<vmem>>[vector<16xi32>, vector<16xi32>], vector<16xf32>,
      %gather3A_129 = tpu.vector_load_idx %arg11[%add3A_125, %broadcast_in_dim3A_5] : memref<128x8xf32, #tpu.memory_space<vmem>>[vector<16xi32>, vector<16xi32>], vector<16xf32>,
      %gather3A_130 = tpu.vector_load_idx %arg11[%add3A_125, %add3A_8] : memref<128x8xf32, #tpu.memory_space<vmem>>[vector<16xi32>, vector<16xi32>], vector<16xf32>,
      %gather3A_131 = tpu.vector_load_idx %arg11[%add3A_125, %add3A_11] : memref<128x8xf32, #tpu.memory_space<vmem>>[vector<16xi32>, vector<16xi32>], vector<16xf32>,
      %sub3A_132 = arith.subf %gather3A_126, %gather3A_129 : vector<16xf32>
      %sub3A_133 = arith.subf %gather3A_127, %gather3A_130 : vector<16xf32>
      %sub3A_134 = arith.subf %gather3A_128, %gather3A_131 : vector<16xf32>
      %mul3A_135 = arith.mulf %sub3A_132, %sub3A_132 : vector<16xf32>
      %mul3A_136 = arith.mulf %sub3A_133, %sub3A_133 : vector<16xf32>
      %add3A_137 = arith.addf %mul3A_135, %mul3A_136 : vector<16xf32>
      %mul3A_138 = arith.mulf %sub3A_134, %sub3A_134 : vector<16xf32>
      %add3A_139 = arith.addf %add3A_137, %mul3A_138 : vector<16xf32>
      %eq3A_140 = arith.constant 0.000000e+00 : f32
      %eq3A_141 = vector.broadcast %eq3A_140 : f32 to vector<16xf32>
      %eq3A_142 = arith.cmpf oeq, %add3A_139, %eq3A_141 : vector<16xf32>
      %jit3A_143 = arith.constant 1.000000e+00 : f32
      %broadcast_in_dim3A_144 = vector.broadcast %jit3A_143 : f32 to vector<16xf32>
      %select_n3A_145 = arith.select %eq3A_142, %broadcast_in_dim3A_144, %add3A_139 : vector<16xi1>, vector<16xf32>
      %div3A_146 = arith.constant 1.000000e+00 : f32
      %div3A_147 = vector.broadcast %div3A_146 : f32 to vector<16xf32>
      %div3A_148 = arith.divf %div3A_147, %select_n3A_145 : vector<16xf32>
      %mul3A_149 = arith.mulf %div3A_148, %div3A_148 : vector<16xf32>
      %mul3A_150 = arith.mulf %mul3A_149, %div3A_148 : vector<16xf32>
      %mul3A_151 = arith.mulf %mul3A_149, %mul3A_149 : vector<16xf32>
      %jit3A_152 = arith.constant 0.000000e+00 : f32
      %broadcast_in_dim3A_153 = vector.broadcast %jit3A_152 : f32 to vector<16xf32>
      %select_n3A_154 = arith.select %eq3A_142, %broadcast_in_dim3A_153, %mul3A_151 : vector<16xi1>, vector<16xf32>
      %mul3A_155 = arith.constant 4.800000e+01 : f32
      %mul3A_156 = vector.broadcast %mul3A_155 : f32 to vector<16xf32>
      %mul3A_157 = arith.mulf %mul3A_156, %mul3A_150 : vector<16xf32>
      %sub3A_158 = arith.constant 2.400000e+01 : f32
      %sub3A_159 = vector.broadcast %sub3A_158 : f32 to vector<16xf32>
      %sub3A_160 = arith.subf %mul3A_157, %sub3A_159 : vector<16xf32>
      %mul3A_161 = arith.mulf %sub3A_132, %select_n3A_154 : vector<16xf32>
      %mul3A_162 = arith.mulf %mul3A_161, %sub3A_160 : vector<16xf32>
      tpu.vector_store_idx %arg12[%add3A_125, %broadcast_in_dim3A_5], %mul3A_162 : memref<128x8xf32, #tpu.memory_space<vmem>>[vector<16xi32>, vector<16xi32>], vector<16xf32>,
      %mul3A_163 = arith.mulf %sub3A_133, %select_n3A_154 : vector<16xf32>
      %mul3A_164 = arith.mulf %mul3A_163, %sub3A_160 : vector<16xf32>
      tpu.vector_store_idx %arg12[%add3A_125, %add3A_8], %mul3A_164 : memref<128x8xf32, #tpu.memory_space<vmem>>[vector<16xi32>, vector<16xi32>], vector<16xf32>,
      %mul3A_165 = arith.mulf %sub3A_134, %select_n3A_154 : vector<16xf32>
      %mul3A_166 = arith.mulf %mul3A_165, %sub3A_160 : vector<16xf32>
      tpu.vector_store_idx %arg12[%add3A_125, %add3A_11], %mul3A_166 : memref<128x8xf32, #tpu.memory_space<vmem>>[vector<16xi32>, vector<16xi32>], vector<16xf32>,
      %add3A_167 = arith.constant 32 : i32
      %add3A_168 = vector.broadcast %add3A_167 : i32 to vector<16xi32>
      %add3A_169 = arith.addi %add3A_168, %iota3A : vector<16xi32>
      %gather3A_170 = tpu.vector_load_idx %arg10[%add3A_169, %broadcast_in_dim3A_5] : memref<128x8xf32, #tpu.memory_space<vmem>>[vector<16xi32>, vector<16xi32>], vector<16xf32>,
      %gather3A_171 = tpu.vector_load_idx %arg10[%add3A_169, %add3A_8] : memref<128x8xf32, #tpu.memory_space<vmem>>[vector<16xi32>, vector<16xi32>], vector<16xf32>,
      %gather3A_172 = tpu.vector_load_idx %arg10[%add3A_169, %add3A_11] : memref<128x8xf32, #tpu.memory_space<vmem>>[vector<16xi32>, vector<16xi32>], vector<16xf32>,
      %gather3A_173 = tpu.vector_load_idx %arg11[%add3A_169, %broadcast_in_dim3A_5] : memref<128x8xf32, #tpu.memory_space<vmem>>[vector<16xi32>, vector<16xi32>], vector<16xf32>,
      %gather3A_174 = tpu.vector_load_idx %arg11[%add3A_169, %add3A_8] : memref<128x8xf32, #tpu.memory_space<vmem>>[vector<16xi32>, vector<16xi32>], vector<16xf32>,
      %gather3A_175 = tpu.vector_load_idx %arg11[%add3A_169, %add3A_11] : memref<128x8xf32, #tpu.memory_space<vmem>>[vector<16xi32>, vector<16xi32>], vector<16xf32>,
      %sub3A_176 = arith.subf %gather3A_170, %gather3A_173 : vector<16xf32>
      %sub3A_177 = arith.subf %gather3A_171, %gather3A_174 : vector<16xf32>
      %sub3A_178 = arith.subf %gather3A_172, %gather3A_175 : vector<16xf32>
      %mul3A_179 = arith.mulf %sub3A_176, %sub3A_176 : vector<16xf32>
      %mul3A_180 = arith.mulf %sub3A_177, %sub3A_177 : vector<16xf32>
      %add3A_181 = arith.addf %mul3A_179, %mul3A_180 : vector<16xf32>
      %mul3A_182 = arith.mulf %sub3A_178, %sub3A_178 : vector<16xf32>
      %add3A_183 = arith.addf %add3A_181, %mul3A_182 : vector<16xf32>
      %eq3A_184 = arith.constant 0.000000e+00 : f32
      %eq3A_185 = vector.broadcast %eq3A_184 : f32 to vector<16xf32>
      %eq3A_186 = arith.cmpf oeq, %add3A_183, %eq3A_185 : vector<16xf32>
      %jit3A_187 = arith.constant 1.000000e+00 : f32
      %broadcast_in_dim3A_188 = vector.broadcast %jit3A_187 : f32 to vector<16xf32>
      %select_n3A_189 = arith.select %eq3A_186, %broadcast_in_dim3A_188, %add3A_183 : vector<16xi1>, vector<16xf32>
      %div3A_190 = arith.constant 1.000000e+00 : f32
      %div3A_191 = vector.broadcast %div3A_190 : f32 to vector<16xf32>
      %div3A_192 = arith.divf %div3A_191, %select_n3A_189 : vector<16xf32>
      %mul3A_193 = arith.mulf %div3A_192, %div3A_192 : vector<16xf32>
      %mul3A_194 = arith.mulf %mul3A_193, %div3A_192 : vector<16xf32>
      %mul3A_195 = arith.mulf %mul3A_193, %mul3A_193 : vector<16xf32>
      %jit3A_196 = arith.constant 0.000000e+00 : f32
      %broadcast_in_dim3A_197 = vector.broadcast %jit3A_196 : f32 to vector<16xf32>
      %select_n3A_198 = arith.select %eq3A_186, %broadcast_in_dim3A_197, %mul3A_195 : vector<16xi1>, vector<16xf32>
      %mul3A_199 = arith.constant 4.800000e+01 : f32
      %mul3A_200 = vector.broadcast %mul3A_199 : f32 to vector<16xf32>
      %mul3A_201 = arith.mulf %mul3A_200, %mul3A_194 : vector<16xf32>
      %sub3A_202 = arith.constant 2.400000e+01 : f32
      %sub3A_203 = vector.broadcast %sub3A_202 : f32 to vector<16xf32>
      %sub3A_204 = arith.subf %mul3A_201, %sub3A_203 : vector<16xf32>
      %mul3A_205 = arith.mulf %sub3A_176, %select_n3A_198 : vector<16xf32>
      %mul3A_206 = arith.mulf %mul3A_205, %sub3A_204 : vector<16xf32>
      tpu.vector_store_idx %arg12[%add3A_169, %broadcast_in_dim3A_5], %mul3A_206 : memref<128x8xf32, #tpu.memory_space<vmem>>[vector<16xi32>, vector<16xi32>], vector<16xf32>,
      %mul3A_207 = arith.mulf %sub3A_177, %select_n3A_198 : vector<16xf32>
      %mul3A_208 = arith.mulf %mul3A_207, %sub3A_204 : vector<16xf32>
      tpu.vector_store_idx %arg12[%add3A_169, %add3A_8], %mul3A_208 : memref<128x8xf32, #tpu.memory_space<vmem>>[vector<16xi32>, vector<16xi32>], vector<16xf32>,
      %mul3A_209 = arith.mulf %sub3A_178, %select_n3A_198 : vector<16xf32>
      %mul3A_210 = arith.mulf %mul3A_209, %sub3A_204 : vector<16xf32>
      tpu.vector_store_idx %arg12[%add3A_169, %add3A_11], %mul3A_210 : memref<128x8xf32, #tpu.memory_space<vmem>>[vector<16xi32>, vector<16xi32>], vector<16xf32>,
      %add3A_211 = arith.constant 48 : i32
      %add3A_212 = vector.broadcast %add3A_211 : i32 to vector<16xi32>
      %add3A_213 = arith.addi %add3A_212, %iota3A : vector<16xi32>
      %gather3A_214 = tpu.vector_load_idx %arg10[%add3A_213, %broadcast_in_dim3A_5] : memref<128x8xf32, #tpu.memory_space<vmem>>[vector<16xi32>, vector<16xi32>], vector<16xf32>,
      %gather3A_215 = tpu.vector_load_idx %arg10[%add3A_213, %add3A_8] : memref<128x8xf32, #tpu.memory_space<vmem>>[vector<16xi32>, vector<16xi32>], vector<16xf32>,
      %gather3A_216 = tpu.vector_load_idx %arg10[%add3A_213, %add3A_11] : memref<128x8xf32, #tpu.memory_space<vmem>>[vector<16xi32>, vector<16xi32>], vector<16xf32>,
      %gather3A_217 = tpu.vector_load_idx %arg11[%add3A_213, %broadcast_in_dim3A_5] : memref<128x8xf32, #tpu.memory_space<vmem>>[vector<16xi32>, vector<16xi32>], vector<16xf32>,
      %gather3A_218 = tpu.vector_load_idx %arg11[%add3A_213, %add3A_8] : memref<128x8xf32, #tpu.memory_space<vmem>>[vector<16xi32>, vector<16xi32>], vector<16xf32>,
      %gather3A_219 = tpu.vector_load_idx %arg11[%add3A_213, %add3A_11] : memref<128x8xf32, #tpu.memory_space<vmem>>[vector<16xi32>, vector<16xi32>], vector<16xf32>,
      %sub3A_220 = arith.subf %gather3A_214, %gather3A_217 : vector<16xf32>
      %sub3A_221 = arith.subf %gather3A_215, %gather3A_218 : vector<16xf32>
      %sub3A_222 = arith.subf %gather3A_216, %gather3A_219 : vector<16xf32>
      %mul3A_223 = arith.mulf %sub3A_220, %sub3A_220 : vector<16xf32>
      %mul3A_224 = arith.mulf %sub3A_221, %sub3A_221 : vector<16xf32>
      %add3A_225 = arith.addf %mul3A_223, %mul3A_224 : vector<16xf32>
      %mul3A_226 = arith.mulf %sub3A_222, %sub3A_222 : vector<16xf32>
      %add3A_227 = arith.addf %add3A_225, %mul3A_226 : vector<16xf32>
      %eq3A_228 = arith.constant 0.000000e+00 : f32
      %eq3A_229 = vector.broadcast %eq3A_228 : f32 to vector<16xf32>
      %eq3A_230 = arith.cmpf oeq, %add3A_227, %eq3A_229 : vector<16xf32>
      %jit3A_231 = arith.constant 1.000000e+00 : f32
      %broadcast_in_dim3A_232 = vector.broadcast %jit3A_231 : f32 to vector<16xf32>
      %select_n3A_233 = arith.select %eq3A_230, %broadcast_in_dim3A_232, %add3A_227 : vector<16xi1>, vector<16xf32>
      %div3A_234 = arith.constant 1.000000e+00 : f32
      %div3A_235 = vector.broadcast %div3A_234 : f32 to vector<16xf32>
      %div3A_236 = arith.divf %div3A_235, %select_n3A_233 : vector<16xf32>
      %mul3A_237 = arith.mulf %div3A_236, %div3A_236 : vector<16xf32>
      %mul3A_238 = arith.mulf %mul3A_237, %div3A_236 : vector<16xf32>
      %mul3A_239 = arith.mulf %mul3A_237, %mul3A_237 : vector<16xf32>
      %jit3A_240 = arith.constant 0.000000e+00 : f32
      %broadcast_in_dim3A_241 = vector.broadcast %jit3A_240 : f32 to vector<16xf32>
      %select_n3A_242 = arith.select %eq3A_230, %broadcast_in_dim3A_241, %mul3A_239 : vector<16xi1>, vector<16xf32>
      %mul3A_243 = arith.constant 4.800000e+01 : f32
      %mul3A_244 = vector.broadcast %mul3A_243 : f32 to vector<16xf32>
      %mul3A_245 = arith.mulf %mul3A_244, %mul3A_238 : vector<16xf32>
      %sub3A_246 = arith.constant 2.400000e+01 : f32
      %sub3A_247 = vector.broadcast %sub3A_246 : f32 to vector<16xf32>
      %sub3A_248 = arith.subf %mul3A_245, %sub3A_247 : vector<16xf32>
      %mul3A_249 = arith.mulf %sub3A_220, %select_n3A_242 : vector<16xf32>
      %mul3A_250 = arith.mulf %mul3A_249, %sub3A_248 : vector<16xf32>
      tpu.vector_store_idx %arg12[%add3A_213, %broadcast_in_dim3A_5], %mul3A_250 : memref<128x8xf32, #tpu.memory_space<vmem>>[vector<16xi32>, vector<16xi32>], vector<16xf32>,
      %mul3A_251 = arith.mulf %sub3A_221, %select_n3A_242 : vector<16xf32>
      %mul3A_252 = arith.mulf %mul3A_251, %sub3A_248 : vector<16xf32>
      tpu.vector_store_idx %arg12[%add3A_213, %add3A_8], %mul3A_252 : memref<128x8xf32, #tpu.memory_space<vmem>>[vector<16xi32>, vector<16xi32>], vector<16xf32>,
      %mul3A_253 = arith.mulf %sub3A_222, %select_n3A_242 : vector<16xf32>
      %mul3A_254 = arith.mulf %mul3A_253, %sub3A_248 : vector<16xf32>
      tpu.vector_store_idx %arg12[%add3A_213, %add3A_11], %mul3A_254 : memref<128x8xf32, #tpu.memory_space<vmem>>[vector<16xi32>, vector<16xi32>], vector<16xf32>,
      %add3A_255 = arith.constant 64 : i32
      %add3A_256 = vector.broadcast %add3A_255 : i32 to vector<16xi32>
      %add3A_257 = arith.addi %add3A_256, %iota3A : vector<16xi32>
      %gather3A_258 = tpu.vector_load_idx %arg10[%add3A_257, %broadcast_in_dim3A_5] : memref<128x8xf32, #tpu.memory_space<vmem>>[vector<16xi32>, vector<16xi32>], vector<16xf32>,
      %gather3A_259 = tpu.vector_load_idx %arg10[%add3A_257, %add3A_8] : memref<128x8xf32, #tpu.memory_space<vmem>>[vector<16xi32>, vector<16xi32>], vector<16xf32>,
      %gather3A_260 = tpu.vector_load_idx %arg10[%add3A_257, %add3A_11] : memref<128x8xf32, #tpu.memory_space<vmem>>[vector<16xi32>, vector<16xi32>], vector<16xf32>,
      %gather3A_261 = tpu.vector_load_idx %arg11[%add3A_257, %broadcast_in_dim3A_5] : memref<128x8xf32, #tpu.memory_space<vmem>>[vector<16xi32>, vector<16xi32>], vector<16xf32>,
      %gather3A_262 = tpu.vector_load_idx %arg11[%add3A_257, %add3A_8] : memref<128x8xf32, #tpu.memory_space<vmem>>[vector<16xi32>, vector<16xi32>], vector<16xf32>,
      %gather3A_263 = tpu.vector_load_idx %arg11[%add3A_257, %add3A_11] : memref<128x8xf32, #tpu.memory_space<vmem>>[vector<16xi32>, vector<16xi32>], vector<16xf32>,
      %sub3A_264 = arith.subf %gather3A_258, %gather3A_261 : vector<16xf32>
      %sub3A_265 = arith.subf %gather3A_259, %gather3A_262 : vector<16xf32>
      %sub3A_266 = arith.subf %gather3A_260, %gather3A_263 : vector<16xf32>
      %mul3A_267 = arith.mulf %sub3A_264, %sub3A_264 : vector<16xf32>
      %mul3A_268 = arith.mulf %sub3A_265, %sub3A_265 : vector<16xf32>
      %add3A_269 = arith.addf %mul3A_267, %mul3A_268 : vector<16xf32>
      %mul3A_270 = arith.mulf %sub3A_266, %sub3A_266 : vector<16xf32>
      %add3A_271 = arith.addf %add3A_269, %mul3A_270 : vector<16xf32>
      %eq3A_272 = arith.constant 0.000000e+00 : f32
      %eq3A_273 = vector.broadcast %eq3A_272 : f32 to vector<16xf32>
      %eq3A_274 = arith.cmpf oeq, %add3A_271, %eq3A_273 : vector<16xf32>
      %jit3A_275 = arith.constant 1.000000e+00 : f32
      %broadcast_in_dim3A_276 = vector.broadcast %jit3A_275 : f32 to vector<16xf32>
      %select_n3A_277 = arith.select %eq3A_274, %broadcast_in_dim3A_276, %add3A_271 : vector<16xi1>, vector<16xf32>
      %div3A_278 = arith.constant 1.000000e+00 : f32
      %div3A_279 = vector.broadcast %div3A_278 : f32 to vector<16xf32>
      %div3A_280 = arith.divf %div3A_279, %select_n3A_277 : vector<16xf32>
      %mul3A_281 = arith.mulf %div3A_280, %div3A_280 : vector<16xf32>
      %mul3A_282 = arith.mulf %mul3A_281, %div3A_280 : vector<16xf32>
      %mul3A_283 = arith.mulf %mul3A_281, %mul3A_281 : vector<16xf32>
      %jit3A_284 = arith.constant 0.000000e+00 : f32
      %broadcast_in_dim3A_285 = vector.broadcast %jit3A_284 : f32 to vector<16xf32>
      %select_n3A_286 = arith.select %eq3A_274, %broadcast_in_dim3A_285, %mul3A_283 : vector<16xi1>, vector<16xf32>
      %mul3A_287 = arith.constant 4.800000e+01 : f32
      %mul3A_288 = vector.broadcast %mul3A_287 : f32 to vector<16xf32>
      %mul3A_289 = arith.mulf %mul3A_288, %mul3A_282 : vector<16xf32>
      %sub3A_290 = arith.constant 2.400000e+01 : f32
      %sub3A_291 = vector.broadcast %sub3A_290 : f32 to vector<16xf32>
      %sub3A_292 = arith.subf %mul3A_289, %sub3A_291 : vector<16xf32>
      %mul3A_293 = arith.mulf %sub3A_264, %select_n3A_286 : vector<16xf32>
      %mul3A_294 = arith.mulf %mul3A_293, %sub3A_292 : vector<16xf32>
      tpu.vector_store_idx %arg12[%add3A_257, %broadcast_in_dim3A_5], %mul3A_294 : memref<128x8xf32, #tpu.memory_space<vmem>>[vector<16xi32>, vector<16xi32>], vector<16xf32>,
      %mul3A_295 = arith.mulf %sub3A_265, %select_n3A_286 : vector<16xf32>
      %mul3A_296 = arith.mulf %mul3A_295, %sub3A_292 : vector<16xf32>
      tpu.vector_store_idx %arg12[%add3A_257, %add3A_8], %mul3A_296 : memref<128x8xf32, #tpu.memory_space<vmem>>[vector<16xi32>, vector<16xi32>], vector<16xf32>,
      %mul3A_297 = arith.mulf %sub3A_266, %select_n3A_286 : vector<16xf32>
      %mul3A_298 = arith.mulf %mul3A_297, %sub3A_292 : vector<16xf32>
      tpu.vector_store_idx %arg12[%add3A_257, %add3A_11], %mul3A_298 : memref<128x8xf32, #tpu.memory_space<vmem>>[vector<16xi32>, vector<16xi32>], vector<16xf32>,
      %add3A_299 = arith.constant 80 : i32
      %add3A_300 = vector.broadcast %add3A_299 : i32 to vector<16xi32>
      %add3A_301 = arith.addi %add3A_300, %iota3A : vector<16xi32>
      %gather3A_302 = tpu.vector_load_idx %arg10[%add3A_301, %broadcast_in_dim3A_5] : memref<128x8xf32, #tpu.memory_space<vmem>>[vector<16xi32>, vector<16xi32>], vector<16xf32>,
      %gather3A_303 = tpu.vector_load_idx %arg10[%add3A_301, %add3A_8] : memref<128x8xf32, #tpu.memory_space<vmem>>[vector<16xi32>, vector<16xi32>], vector<16xf32>,
      %gather3A_304 = tpu.vector_load_idx %arg10[%add3A_301, %add3A_11] : memref<128x8xf32, #tpu.memory_space<vmem>>[vector<16xi32>, vector<16xi32>], vector<16xf32>,
      %gather3A_305 = tpu.vector_load_idx %arg11[%add3A_301, %broadcast_in_dim3A_5] : memref<128x8xf32, #tpu.memory_space<vmem>>[vector<16xi32>, vector<16xi32>], vector<16xf32>,
      %gather3A_306 = tpu.vector_load_idx %arg11[%add3A_301, %add3A_8] : memref<128x8xf32, #tpu.memory_space<vmem>>[vector<16xi32>, vector<16xi32>], vector<16xf32>,
      %gather3A_307 = tpu.vector_load_idx %arg11[%add3A_301, %add3A_11] : memref<128x8xf32, #tpu.memory_space<vmem>>[vector<16xi32>, vector<16xi32>], vector<16xf32>,
      %sub3A_308 = arith.subf %gather3A_302, %gather3A_305 : vector<16xf32>
      %sub3A_309 = arith.subf %gather3A_303, %gather3A_306 : vector<16xf32>
      %sub3A_310 = arith.subf %gather3A_304, %gather3A_307 : vector<16xf32>
      %mul3A_311 = arith.mulf %sub3A_308, %sub3A_308 : vector<16xf32>
      %mul3A_312 = arith.mulf %sub3A_309, %sub3A_309 : vector<16xf32>
      %add3A_313 = arith.addf %mul3A_311, %mul3A_312 : vector<16xf32>
      %mul3A_314 = arith.mulf %sub3A_310, %sub3A_310 : vector<16xf32>
      %add3A_315 = arith.addf %add3A_313, %mul3A_314 : vector<16xf32>
      %eq3A_316 = arith.constant 0.000000e+00 : f32
      %eq3A_317 = vector.broadcast %eq3A_316 : f32 to vector<16xf32>
      %eq3A_318 = arith.cmpf oeq, %add3A_315, %eq3A_317 : vector<16xf32>
      %jit3A_319 = arith.constant 1.000000e+00 : f32
      %broadcast_in_dim3A_320 = vector.broadcast %jit3A_319 : f32 to vector<16xf32>
      %select_n3A_321 = arith.select %eq3A_318, %broadcast_in_dim3A_320, %add3A_315 : vector<16xi1>, vector<16xf32>
      %div3A_322 = arith.constant 1.000000e+00 : f32
      %div3A_323 = vector.broadcast %div3A_322 : f32 to vector<16xf32>
      %div3A_324 = arith.divf %div3A_323, %select_n3A_321 : vector<16xf32>
      %mul3A_325 = arith.mulf %div3A_324, %div3A_324 : vector<16xf32>
      %mul3A_326 = arith.mulf %mul3A_325, %div3A_324 : vector<16xf32>
      %mul3A_327 = arith.mulf %mul3A_325, %mul3A_325 : vector<16xf32>
      %jit3A_328 = arith.constant 0.000000e+00 : f32
      %broadcast_in_dim3A_329 = vector.broadcast %jit3A_328 : f32 to vector<16xf32>
      %select_n3A_330 = arith.select %eq3A_318, %broadcast_in_dim3A_329, %mul3A_327 : vector<16xi1>, vector<16xf32>
      %mul3A_331 = arith.constant 4.800000e+01 : f32
      %mul3A_332 = vector.broadcast %mul3A_331 : f32 to vector<16xf32>
      %mul3A_333 = arith.mulf %mul3A_332, %mul3A_326 : vector<16xf32>
      %sub3A_334 = arith.constant 2.400000e+01 : f32
      %sub3A_335 = vector.broadcast %sub3A_334 : f32 to vector<16xf32>
      %sub3A_336 = arith.subf %mul3A_333, %sub3A_335 : vector<16xf32>
      %mul3A_337 = arith.mulf %sub3A_308, %select_n3A_330 : vector<16xf32>
      %mul3A_338 = arith.mulf %mul3A_337, %sub3A_336 : vector<16xf32>
      tpu.vector_store_idx %arg12[%add3A_301, %broadcast_in_dim3A_5], %mul3A_338 : memref<128x8xf32, #tpu.memory_space<vmem>>[vector<16xi32>, vector<16xi32>], vector<16xf32>,
      %mul3A_339 = arith.mulf %sub3A_309, %select_n3A_330 : vector<16xf32>
      %mul3A_340 = arith.mulf %mul3A_339, %sub3A_336 : vector<16xf32>
      tpu.vector_store_idx %arg12[%add3A_301, %add3A_8], %mul3A_340 : memref<128x8xf32, #tpu.memory_space<vmem>>[vector<16xi32>, vector<16xi32>], vector<16xf32>,
      %mul3A_341 = arith.mulf %sub3A_310, %select_n3A_330 : vector<16xf32>
      %mul3A_342 = arith.mulf %mul3A_341, %sub3A_336 : vector<16xf32>
      tpu.vector_store_idx %arg12[%add3A_301, %add3A_11], %mul3A_342 : memref<128x8xf32, #tpu.memory_space<vmem>>[vector<16xi32>, vector<16xi32>], vector<16xf32>,
      %add3A_343 = arith.constant 96 : i32
      %add3A_344 = vector.broadcast %add3A_343 : i32 to vector<16xi32>
      %add3A_345 = arith.addi %add3A_344, %iota3A : vector<16xi32>
      %gather3A_346 = tpu.vector_load_idx %arg10[%add3A_345, %broadcast_in_dim3A_5] : memref<128x8xf32, #tpu.memory_space<vmem>>[vector<16xi32>, vector<16xi32>], vector<16xf32>,
      %gather3A_347 = tpu.vector_load_idx %arg10[%add3A_345, %add3A_8] : memref<128x8xf32, #tpu.memory_space<vmem>>[vector<16xi32>, vector<16xi32>], vector<16xf32>,
      %gather3A_348 = tpu.vector_load_idx %arg10[%add3A_345, %add3A_11] : memref<128x8xf32, #tpu.memory_space<vmem>>[vector<16xi32>, vector<16xi32>], vector<16xf32>,
      %gather3A_349 = tpu.vector_load_idx %arg11[%add3A_345, %broadcast_in_dim3A_5] : memref<128x8xf32, #tpu.memory_space<vmem>>[vector<16xi32>, vector<16xi32>], vector<16xf32>,
      %gather3A_350 = tpu.vector_load_idx %arg11[%add3A_345, %add3A_8] : memref<128x8xf32, #tpu.memory_space<vmem>>[vector<16xi32>, vector<16xi32>], vector<16xf32>,
      %gather3A_351 = tpu.vector_load_idx %arg11[%add3A_345, %add3A_11] : memref<128x8xf32, #tpu.memory_space<vmem>>[vector<16xi32>, vector<16xi32>], vector<16xf32>,
      %sub3A_352 = arith.subf %gather3A_346, %gather3A_349 : vector<16xf32>
      %sub3A_353 = arith.subf %gather3A_347, %gather3A_350 : vector<16xf32>
      %sub3A_354 = arith.subf %gather3A_348, %gather3A_351 : vector<16xf32>
      %mul3A_355 = arith.mulf %sub3A_352, %sub3A_352 : vector<16xf32>
      %mul3A_356 = arith.mulf %sub3A_353, %sub3A_353 : vector<16xf32>
      %add3A_357 = arith.addf %mul3A_355, %mul3A_356 : vector<16xf32>
      %mul3A_358 = arith.mulf %sub3A_354, %sub3A_354 : vector<16xf32>
      %add3A_359 = arith.addf %add3A_357, %mul3A_358 : vector<16xf32>
      %eq3A_360 = arith.constant 0.000000e+00 : f32
      %eq3A_361 = vector.broadcast %eq3A_360 : f32 to vector<16xf32>
      %eq3A_362 = arith.cmpf oeq, %add3A_359, %eq3A_361 : vector<16xf32>
      %jit3A_363 = arith.constant 1.000000e+00 : f32
      %broadcast_in_dim3A_364 = vector.broadcast %jit3A_363 : f32 to vector<16xf32>
      %select_n3A_365 = arith.select %eq3A_362, %broadcast_in_dim3A_364, %add3A_359 : vector<16xi1>, vector<16xf32>
      %div3A_366 = arith.constant 1.000000e+00 : f32
      %div3A_367 = vector.broadcast %div3A_366 : f32 to vector<16xf32>
      %div3A_368 = arith.divf %div3A_367, %select_n3A_365 : vector<16xf32>
      %mul3A_369 = arith.mulf %div3A_368, %div3A_368 : vector<16xf32>
      %mul3A_370 = arith.mulf %mul3A_369, %div3A_368 : vector<16xf32>
      %mul3A_371 = arith.mulf %mul3A_369, %mul3A_369 : vector<16xf32>
      %jit3A_372 = arith.constant 0.000000e+00 : f32
      %broadcast_in_dim3A_373 = vector.broadcast %jit3A_372 : f32 to vector<16xf32>
      %select_n3A_374 = arith.select %eq3A_362, %broadcast_in_dim3A_373, %mul3A_371 : vector<16xi1>, vector<16xf32>
      %mul3A_375 = arith.constant 4.800000e+01 : f32
      %mul3A_376 = vector.broadcast %mul3A_375 : f32 to vector<16xf32>
      %mul3A_377 = arith.mulf %mul3A_376, %mul3A_370 : vector<16xf32>
      %sub3A_378 = arith.constant 2.400000e+01 : f32
      %sub3A_379 = vector.broadcast %sub3A_378 : f32 to vector<16xf32>
      %sub3A_380 = arith.subf %mul3A_377, %sub3A_379 : vector<16xf32>
      %mul3A_381 = arith.mulf %sub3A_352, %select_n3A_374 : vector<16xf32>
      %mul3A_382 = arith.mulf %mul3A_381, %sub3A_380 : vector<16xf32>
      tpu.vector_store_idx %arg12[%add3A_345, %broadcast_in_dim3A_5], %mul3A_382 : memref<128x8xf32, #tpu.memory_space<vmem>>[vector<16xi32>, vector<16xi32>], vector<16xf32>,
      %mul3A_383 = arith.mulf %sub3A_353, %select_n3A_374 : vector<16xf32>
      %mul3A_384 = arith.mulf %mul3A_383, %sub3A_380 : vector<16xf32>
      tpu.vector_store_idx %arg12[%add3A_345, %add3A_8], %mul3A_384 : memref<128x8xf32, #tpu.memory_space<vmem>>[vector<16xi32>, vector<16xi32>], vector<16xf32>,
      %mul3A_385 = arith.mulf %sub3A_354, %select_n3A_374 : vector<16xf32>
      %mul3A_386 = arith.mulf %mul3A_385, %sub3A_380 : vector<16xf32>
      tpu.vector_store_idx %arg12[%add3A_345, %add3A_11], %mul3A_386 : memref<128x8xf32, #tpu.memory_space<vmem>>[vector<16xi32>, vector<16xi32>], vector<16xf32>,
      %add3A_387 = arith.constant 112 : i32
      %add3A_388 = vector.broadcast %add3A_387 : i32 to vector<16xi32>
      %add3A_389 = arith.addi %add3A_388, %iota3A : vector<16xi32>
      %gather3A_390 = tpu.vector_load_idx %arg10[%add3A_389, %broadcast_in_dim3A_5] : memref<128x8xf32, #tpu.memory_space<vmem>>[vector<16xi32>, vector<16xi32>], vector<16xf32>,
      %gather3A_391 = tpu.vector_load_idx %arg10[%add3A_389, %add3A_8] : memref<128x8xf32, #tpu.memory_space<vmem>>[vector<16xi32>, vector<16xi32>], vector<16xf32>,
      %gather3A_392 = tpu.vector_load_idx %arg10[%add3A_389, %add3A_11] : memref<128x8xf32, #tpu.memory_space<vmem>>[vector<16xi32>, vector<16xi32>], vector<16xf32>,
      %gather3A_393 = tpu.vector_load_idx %arg11[%add3A_389, %broadcast_in_dim3A_5] : memref<128x8xf32, #tpu.memory_space<vmem>>[vector<16xi32>, vector<16xi32>], vector<16xf32>,
      %gather3A_394 = tpu.vector_load_idx %arg11[%add3A_389, %add3A_8] : memref<128x8xf32, #tpu.memory_space<vmem>>[vector<16xi32>, vector<16xi32>], vector<16xf32>,
      %gather3A_395 = tpu.vector_load_idx %arg11[%add3A_389, %add3A_11] : memref<128x8xf32, #tpu.memory_space<vmem>>[vector<16xi32>, vector<16xi32>], vector<16xf32>,
      %sub3A_396 = arith.subf %gather3A_390, %gather3A_393 : vector<16xf32>
      %sub3A_397 = arith.subf %gather3A_391, %gather3A_394 : vector<16xf32>
      %sub3A_398 = arith.subf %gather3A_392, %gather3A_395 : vector<16xf32>
      %mul3A_399 = arith.mulf %sub3A_396, %sub3A_396 : vector<16xf32>
      %mul3A_400 = arith.mulf %sub3A_397, %sub3A_397 : vector<16xf32>
      %add3A_401 = arith.addf %mul3A_399, %mul3A_400 : vector<16xf32>
      %mul3A_402 = arith.mulf %sub3A_398, %sub3A_398 : vector<16xf32>
      %add3A_403 = arith.addf %add3A_401, %mul3A_402 : vector<16xf32>
      %eq3A_404 = arith.constant 0.000000e+00 : f32
      %eq3A_405 = vector.broadcast %eq3A_404 : f32 to vector<16xf32>
      %eq3A_406 = arith.cmpf oeq, %add3A_403, %eq3A_405 : vector<16xf32>
      %jit3A_407 = arith.constant 1.000000e+00 : f32
      %broadcast_in_dim3A_408 = vector.broadcast %jit3A_407 : f32 to vector<16xf32>
      %select_n3A_409 = arith.select %eq3A_406, %broadcast_in_dim3A_408, %add3A_403 : vector<16xi1>, vector<16xf32>
      %div3A_410 = arith.constant 1.000000e+00 : f32
      %div3A_411 = vector.broadcast %div3A_410 : f32 to vector<16xf32>
      %div3A_412 = arith.divf %div3A_411, %select_n3A_409 : vector<16xf32>
      %mul3A_413 = arith.mulf %div3A_412, %div3A_412 : vector<16xf32>
      %mul3A_414 = arith.mulf %mul3A_413, %div3A_412 : vector<16xf32>
      %mul3A_415 = arith.mulf %mul3A_413, %mul3A_413 : vector<16xf32>
      %jit3A_416 = arith.constant 0.000000e+00 : f32
      %broadcast_in_dim3A_417 = vector.broadcast %jit3A_416 : f32 to vector<16xf32>
      %select_n3A_418 = arith.select %eq3A_406, %broadcast_in_dim3A_417, %mul3A_415 : vector<16xi1>, vector<16xf32>
      %mul3A_419 = arith.constant 4.800000e+01 : f32
      %mul3A_420 = vector.broadcast %mul3A_419 : f32 to vector<16xf32>
      %mul3A_421 = arith.mulf %mul3A_420, %mul3A_414 : vector<16xf32>
      %sub3A_422 = arith.constant 2.400000e+01 : f32
      %sub3A_423 = vector.broadcast %sub3A_422 : f32 to vector<16xf32>
      %sub3A_424 = arith.subf %mul3A_421, %sub3A_423 : vector<16xf32>
      %mul3A_425 = arith.mulf %sub3A_396, %select_n3A_418 : vector<16xf32>
      %mul3A_426 = arith.mulf %mul3A_425, %sub3A_424 : vector<16xf32>
      tpu.vector_store_idx %arg12[%add3A_389, %broadcast_in_dim3A_5], %mul3A_426 : memref<128x8xf32, #tpu.memory_space<vmem>>[vector<16xi32>, vector<16xi32>], vector<16xf32>,
      %mul3A_427 = arith.mulf %sub3A_397, %select_n3A_418 : vector<16xf32>
      %mul3A_428 = arith.mulf %mul3A_427, %sub3A_424 : vector<16xf32>
      tpu.vector_store_idx %arg12[%add3A_389, %add3A_8], %mul3A_428 : memref<128x8xf32, #tpu.memory_space<vmem>>[vector<16xi32>, vector<16xi32>], vector<16xf32>,
      %mul3A_429 = arith.mulf %sub3A_398, %select_n3A_418 : vector<16xf32>
      %mul3A_430 = arith.mulf %mul3A_429, %sub3A_424 : vector<16xf32>
      tpu.vector_store_idx %arg12[%add3A_389, %add3A_11], %mul3A_430 : memref<128x8xf32, #tpu.memory_space<vmem>>[vector<16xi32>, vector<16xi32>], vector<16xf32>,
      "tpu.region"() ({
        %run_scoped3A_431 = tpu.sem_alloc : memref<!tpu.dma_semaphore, #tpu.memory_space<semaphore_mem>>
        %dma_start3A = arith.constant 0 : i32
        %dma_start3A_432 = arith.constant 0 : i32
        %dma_start3A_433 = tpu.memref_slice %arg6[%dma_start3A, %dma_start3A_432] : memref<200000x8xf32, #tpu.memory_space<vmem_shared>> -> memref<200000x8xf32, #tpu.memory_space<vmem_shared>>
        tpu.enqueue_indirect_dma source(%arg12 : memref<128x8xf32, #tpu.memory_space<vmem>>) target(%dma_start3A_433 : memref<200000x8xf32, #tpu.memory_space<vmem_shared>>) offsets(%arg9 : memref<128xi32, #tpu.memory_space<vmem>>) semaphore(%run_scoped3A_431 : memref<!tpu.dma_semaphore, #tpu.memory_space<semaphore_mem>>) {add = true}
        %dma_wait3A = arith.constant 0 : i32
        %dma_wait3A_434 = arith.constant 0 : i32
        %dma_wait3A_435 = tpu.memref_slice %arg6[%dma_wait3A, %dma_wait3A_434] : memref<200000x8xf32, #tpu.memory_space<vmem_shared>> -> memref<200000x8xf32, #tpu.memory_space<vmem_shared>>
        tpu.wait_indirect_dma semaphore(%run_scoped3A_431 : memref<!tpu.dma_semaphore, #tpu.memory_space<semaphore_mem>>) src(%arg12 : memref<128x8xf32, #tpu.memory_space<vmem>>) dst(%dma_wait3A_435 : memref<200000x8xf32, #tpu.memory_space<vmem_shared>>)
        tpu.yield
      }) : () -> ()
    } else {
    }
    %barrier3A_21 = arith.constant 0 : index
    tpu.barrier barrier_id(%barrier3A_21)
    %eq3A_22 = arith.constant 0 : i32
    %eq3A_23 = arith.cmpi eq, %arg1, %eq3A_22 : i32
    %convert_element_type3A_24 = arith.extui %eq3A_23 : i1 to i32
    %cond3A_25 = arith.constant 0 : i32
    %cond3A_26 = arith.cmpi ne, %convert_element_type3A_24, %cond3A_25 : i32
    scf.if %cond3A_26 {
      "tpu.region"() ({
        %run_scoped3A = tpu.sem_alloc : memref<!tpu.dma_semaphore, #tpu.memory_space<semaphore_mem>>
        %dma_start3A = arith.constant 0 : i32
        %dma_start3A_27 = arith.constant 0 : i32
        %dma_start3A_28 = tpu.memref_slice %arg5[%arg0, %dma_start3A, %dma_start3A_27] : memref<2x100000x8xf32, #tpu.memory_space<hbm>> -> memref<1x100000x8xf32, #tpu.memory_space<hbm>>
        %dma_start3A_29 = tpu.memref_squeeze %dma_start3A_28 : memref<1x100000x8xf32, #tpu.memory_space<hbm>> -> memref<100000x8xf32, #tpu.memory_space<hbm>>
        %dma_start3A_30 = arith.constant 100000 : i32
        %dma_start3A_31 = arith.constant 0 : i32
        %dma_start3A_32 = tpu.memref_slice %arg6[%dma_start3A_30, %dma_start3A_31] : memref<200000x8xf32, #tpu.memory_space<vmem_shared>> -> memref<100000x8xf32, #tpu.memory_space<vmem_shared>>
        tpu.enqueue_dma source(%dma_start3A_32 : memref<100000x8xf32, #tpu.memory_space<vmem_shared>>) target(%dma_start3A_29 : memref<100000x8xf32, #tpu.memory_space<hbm>>) target_semaphore(%run_scoped3A : memref<!tpu.dma_semaphore, #tpu.memory_space<semaphore_mem>>)
        %dma_wait3A = arith.constant 0 : i32
        %dma_wait3A_33 = arith.constant 0 : i32
        %dma_wait3A_34 = tpu.memref_slice %arg5[%arg0, %dma_wait3A, %dma_wait3A_33] : memref<2x100000x8xf32, #tpu.memory_space<hbm>> -> memref<1x100000x8xf32, #tpu.memory_space<hbm>>
        %dma_wait3A_35 = tpu.memref_squeeze %dma_wait3A_34 : memref<1x100000x8xf32, #tpu.memory_space<hbm>> -> memref<100000x8xf32, #tpu.memory_space<hbm>>
        %dma_wait3A_36 = arith.constant 100000 : i32
        %dma_wait3A_37 = arith.constant 0 : i32
        %dma_wait3A_38 = tpu.memref_slice %arg6[%dma_wait3A_36, %dma_wait3A_37] : memref<200000x8xf32, #tpu.memory_space<vmem_shared>> -> memref<100000x8xf32, #tpu.memory_space<vmem_shared>>
        tpu.wait_dma2 semaphore(%run_scoped3A : memref<!tpu.dma_semaphore, #tpu.memory_space<semaphore_mem>>) src(%dma_wait3A_38 : memref<100000x8xf32, #tpu.memory_space<vmem_shared>>) dst(%dma_wait3A_35 : memref<100000x8xf32, #tpu.memory_space<hbm>>)
        tpu.yield
      }) : () -> ()
    } else {
    }
    return
  }
}

module attributes {stable_mosaic.version = 14 : i64} {
  func.func @_merge_body(%arg0: memref<2x16x50000xf32, #tpu.memory_space<vmem>>, %arg1: memref<16x50000xf32, #tpu.memory_space<vmem>>) attributes {dimension_semantics = [], scalar_prefetch = 0 : i64, scratch_operands = 0 : i64, tpu.core_type = #tpu.core_type<tc>} {
    %get3A = arith.constant 0 : index
    %get3A_0 = arith.constant 0 : index
    %get3A_1 = arith.constant 0 : index
    %get3A_2 = vector.load %arg0[%get3A, %get3A_0, %get3A_1] : memref<2x16x50000xf32, #tpu.memory_space<vmem>>, vector<1x16x50000xf32>
    %get3A_3 = vector.shape_cast %get3A_2 : vector<1x16x50000xf32> to vector<16x50000xf32>
    %get3A_4 = arith.constant 1 : index
    %get3A_5 = arith.constant 0 : index
    %get3A_6 = arith.constant 0 : index
    %get3A_7 = vector.load %arg0[%get3A_4, %get3A_5, %get3A_6] : memref<2x16x50000xf32, #tpu.memory_space<vmem>>, vector<1x16x50000xf32>
    %get3A_8 = vector.shape_cast %get3A_7 : vector<1x16x50000xf32> to vector<16x50000xf32>
    %add3A = arith.addf %get3A_3, %get3A_8 : vector<16x50000xf32>
    %swap3A = arith.constant 0 : index
    %swap3A_9 = arith.constant 0 : index
    %swap3A_10 = vector.load %arg1[%swap3A, %swap3A_9] : memref<16x50000xf32, #tpu.memory_space<vmem>>, vector<16x50000xf32>
    tpu.vector_store %arg1[%swap3A, %swap3A_9], %add3A {strides = array<i32>} : memref<16x50000xf32, #tpu.memory_space<vmem>>, vector<16x50000xf32>,
    return
  }
}

</mosaic_0001>

<sc_bundles>
// kernel: kernel.4.cloned.1.call-start
scs
__scs_entry_jumppad:
0x0: {  	(pc) =	sbr.rel $0x88, $3  }
0x1: {  	(tag) =	ssettag $0x0;
	lr =	simm.s32 $0x1  }
0x2: {  	[smem:$0x3F9F] =	sst lr;
	_ =	strace $0xD0000000  }
0x3: {  	_ = 	snop  }
0x4: {  	_ = 	snop  }
0x5: {  	_ = 	snop  }
0x6: {  	_ = 	snop  }
0x7: {  	_ = 	snop  }
__scs_overlays_trampoline_lowered:
0x8: {  	[smem:$0x3FAE] =	sst s0  }
0x9: {  	[smem:$0x3FAF] =	sst s1  }
0xa: {  	[smem:$0x3FB0] =	sst s2  }
0xb: {  	[smem:$0x3FB1] =	sst s3  }
0xc: {  	[smem:$0x3FB2] =	sst s4  }
0xd: {  	[smem:$0x3FB3] =	sst s5  }
0xe: {  	[smem:$0x3FB4] =	sst s6  }
0xf: {  	[smem:$0x3FB5] =	sst s7  }
0x10: {  	[smem:$0x3FB6] =	sst s8  }
0x11: {  	[smem:$0x3FB7] =	sst s9;
	s0 =	simm.s32 @!p0 $0x0  }
0x12: {  	s1 =	sld [smem:$0x3F9D];
	s0 =	simm.s32 @p0 $0x1  }
0x13: {  	[smem:$0x3FB8] =	sst s0;
	s0 =	simm.s32 @!p1 $0x0  }
0x14: {  	s2 =	sld [smem:$0x3F9C];
	s0 =	simm.s32 @p1 $0x1  }
0x15: {  	[smem:$0x3FB9] =	sst s0;
	s0 =	simm.s32 @!p2 $0x0  }
0x16: {  	s3 =	sld [smem:$0x3FDB];
	s0 =	simm.s32 @p2 $0x1  }
0x17: {  	s4 =	simm.s32 $0x1BF5;
	[smem:$0x3FBB] =	sst s0  }
0x18: {  	s0 =	sld [smem:$0x3F9E];
	_ =	swait.ge [sflag:s4], $0x0  }
0x19: {  	s7 =	sld [smem:$0x3F9F]  }
0x1a: {  	s8 =	sadd.s32 $0xFFFFE003, lr  }
0x1b: {  	s9 =	sadd.s32 $0xFFFFFEF7, lr;
	s5 =	simm.s32 $0xFFFFFFFF;
	p2 =	slt.u32 s8, $0xFFFFF086  }
0x1c: {  	p1 =	slt.u32 s9, $0xF7A;
	s5 =	simm.s32 @!p2 $0x0  }
0x1d: {  	s5 =	simm.s32 @p1 $0x1;
	p0 =	seq.s32 s7, s2  }
0x1e: {  	s7 =	smul.u32 @!p0 $0xF7A, s2;
	p2 =	seq.s32 @!p0 s5, $0x0  }
0x1f: {  	s9 =	smul.u32 $0xF7A, s1;
	s8 =	simm.s32 @!p0 $0x1BF5;
	p2 =	por !p2, p0  }
0x20: {  	[sflag:s8] =	ssyncset.s32 @!p0 $0xFFFFF086;
	s6 =	sadd.s32 @!p0 s3, s7;
	s7 =	simm.s32 @!p0 $0x108  }
0x21: {  	s3 =	sadd.s32 s3, s9;
	s6 =	sadd.s32 @!p0 $0x88, s6;
	s7 =	simm.s32 @p2 $0x1082  }
0x22: {  	[simem:s7], [sflag:s8] =	dma.local @!p0 [hbm:s6], $0xF7A  }
0x23: {  	s9 =	sor.u32 $0xD0000000, s2;
	s6 =	simm.s32 $0x108;
	_ =	swait.ge @!p0 [sflag:s8], $0x0  }
0x24: {  	s3 =	sadd.s32 $0x88, s3;
	s6 =	simm.s32 @!p1 $0x1082;
	[sflag:s4] =	ssyncset.s32 $0xFFFFF086  }
0x25: {  	[simem:s6], [sflag:s4] =	dma.local [hbm:s3], $0xF7A  }
0x26: {  	[smem:$0x3F9F] =	sst s1;
	(tag) =	ssettag s2;
	_ =	strace s9  }
0x27: {  	s1 =	sld [smem:$0x3FAF]  }
0x28: {  	s2 =	sld [smem:$0x3FB0]  }
0x29: {  	s4 =	sld [smem:$0x3FB2]  }
0x2a: {  	p0 =	seq.s32 s5, $0x0;
	s5 =	sld [smem:$0x3FB3]  }
0x2b: {  	s6 =	sld [smem:$0x3FB4]  }
0x2c: {  	s7 =	sld [smem:$0x3FB5]  }
0x2d: {  	s3 =	simm.s32 $0x108;
	s8 =	sld [smem:$0x3FB6]  }
0x2e: {  	s3 =	simm.s32 @!p0 $0x1082;
	s9 =	sld [smem:$0x3FB7]  }
0x2f: {  	lr =	sadd.s32 s0, s3;
	s0 =	sld [smem:$0x3FAE]  }
0x30: {  	s3 =	sld [smem:$0x3FB1]  }
0x31: {  	[smem:$0x3FBA] =	sst s10  }
0x32: {  	s10 =	sld [smem:$0x3FB8];
	_ =	sdelay $0x3  }
0x33: {  	p0 =	seq.s32 s10, $0x1;
	s10 =	sld [smem:$0x3FBA];
	_ =	sdelay $0x3  }
0x34: {  	[smem:$0x3FBA] =	sst s10  }
0x35: {  	s10 =	sld [smem:$0x3FB9];
	_ =	sdelay $0x3  }
0x36: {  	p1 =	seq.s32 s10, $0x1;
	s10 =	sld [smem:$0x3FBA];
	_ =	sdelay $0x3  }
0x37: {  	[smem:$0x3FBA] =	sst s10  }
0x38: {  	s10 =	sld [smem:$0x3FBB]  }
0x39: {  	_ = 	snop;
	(pc) =	sbr.ind lr, $3  }
0x3a: {  	_ = 	snop  }
0x3b: {  	_ = 	snop  }
0x3c: {  	p2 =	seq.s32 s10, $0x1;
	s10 =	sld [smem:$0x3FBA]  }
0x3d: {  	_ =	shalt  }
0x3e: {  	_ =	shalt  }
0x3f: {  	_ =	shalt  }
0x40: {  	_ =	shalt  }
0x41: {  	_ =	shalt  }
0x42: {  	_ =	shalt  }
0x43: {  	_ =	shalt  }
0x44: {  	_ =	shalt  }
0x45: {  	_ =	shalt  }
0x46: {  	_ =	shalt  }
0x47: {  	_ =	shalt  }
0x48: {  	_ =	shalt  }
0x49: {  	_ =	shalt  }
0x4a: {  	_ =	shalt  }
0x4b: {  	_ =	shalt  }
0x4c: {  	_ =	shalt  }
0x4d: {  	_ =	shalt  }
0x4e: {  	_ =	shalt  }
0x4f: {  	_ =	shalt  }
0x50: {  	_ =	shalt  }
0x51: {  	_ =	shalt  }
0x52: {  	_ =	shalt  }
0x53: {  	_ =	shalt  }
0x54: {  	_ =	shalt  }
0x55: {  	_ =	shalt  }
0x56: {  	_ =	shalt  }
0x57: {  	_ =	shalt  }
0x58: {  	_ =	shalt  }
0x59: {  	_ =	shalt  }
0x5a: {  	_ =	shalt  }
0x5b: {  	_ =	shalt  }
0x5c: {  	_ =	shalt  }
0x5d: {  	_ =	shalt  }
0x5e: {  	_ =	shalt  }
0x5f: {  	_ =	shalt  }
0x60: {  	_ =	shalt  }
0x61: {  	_ =	shalt  }
0x62: {  	_ =	shalt  }
0x63: {  	_ =	shalt  }
0x64: {  	_ =	shalt  }
0x65: {  	_ =	shalt  }
0x66: {  	_ =	shalt  }
0x67: {  	_ =	shalt  }
0x68: {  	_ =	shalt  }
0x69: {  	_ =	shalt  }
0x6a: {  	_ =	shalt  }
0x6b: {  	_ =	shalt  }
0x6c: {  	_ =	shalt  }
0x6d: {  	_ =	shalt  }
0x6e: {  	_ =	shalt  }
0x6f: {  	_ =	shalt  }
0x70: {  	_ =	shalt  }
0x71: {  	_ =	shalt  }
0x72: {  	_ =	shalt  }
0x73: {  	_ =	shalt  }
0x74: {  	_ =	shalt  }
0x75: {  	_ =	shalt  }
0x76: {  	_ =	shalt  }
0x77: {  	_ =	shalt  }
0x78: {  	_ =	shalt  }
0x79: {  	_ =	shalt  }
0x7a: {  	_ =	shalt  }
0x7b: {  	_ =	shalt  }
0x7c: {  	_ =	shalt  }
0x7d: {  	_ =	shalt  }
0x7e: {  	_ =	shalt  }
0x7f: {  	_ =	shalt  }
0x80: {  	_ =	shalt  }
0x81: {  	_ =	shalt  }
0x82: {  	_ =	shalt  }
0x83: {  	_ =	shalt  }
0x84: {  	_ =	shalt  }
0x85: {  	_ =	shalt  }
0x86: {  	_ =	shalt  }
0x87: {  	_ =	shalt  }
.Lfunc_end0:
.L_simem_size_0:
called_computation_lowered:
.L_overlay_start_0:
0x88: {  	s2 =	sld [smem:$0x3FD9]  }
0x89: {  	s3 =	sld [smem:$0x3FFE];
	_ =	sdelay $0x1  }
0x8a: {  	s1 =	srdreg.scid  }
0x8b: {  	s0 =	sand.u32 $0x1, s1  }
0x8c: {  	s16 =	sshll.u32 s0, $0xA;
	s2 =	sadd.s32 s3, s2  }
0x8d: {  	s2 =	sadd.s32 s2, s16  }
0x8e: {  	[smem:$0x3FC6] =	sst s2  }
0x8f: {  	_ = 	snop  }
0x90: {  	(tm) =	ssettm $0x1  }
0x91: {  	s17 =	sld [smem:$0x3FFB];
	_ =	sdelay $0x3  }
0x92: {  	_ =	strace s17  }
0x93: {  	s2 =	sld [smem:$0x3FFC];
	_ =	sdelay $0x3  }
0x94: {  	_ =	strace s2  }
0x95: {  	s2 =	sld [smem:$0x3FFD];
	_ =	sdelay $0x3  }
0x96: {  	_ =	strace s2  }
0x97: {  	_ =	strace $0x8FFFFFFF  }
0x98: {  	s18 =	sld [smem:$0x3FDB];
	_ =	sdelay $0x1  }
0x99: {  	s19 =	simm.s32 $_scs_section_size  }
0x9a: {  	s4 =	simm.s32 $_size__tile_overlayer_lowered;
	s5 =	simm.s32 $_tile_overlayer_lowered  }
0x9b: {  	s22 =	simm.s32 $0x1BFF;
	s21 =	sshll.u32 s5, $0x1;
	s2 =	sadd.s32 s19, s18  }
0x9c: {  	s6 =	simm.s32 $0x0;
	s20 =	sshll.u32 s4, $0x1;
	s4 =	sadd.s32 s21, s2  }
0x9d: {  	[timem:s6], [sflag:s22] =	dma.local [hbm:s4], s20  }
0x9e: {  	_ =	swait.ge [sflag:s22], s20  }
0x9f: {  	s3 =	ssub.s32 $0x0, s20;
	[sflag:s22] =	ssyncset.done $0x0  }
0xa0: {  	[sflag:s22] =	ssyncadd.s32 s3;
	_ =	sdelay $0x1  }
0xa1: {  	s23 =	simm.s32 $0x1B8B  }
0xa2: {  	_ =	swait.ge [sflag:s23], $0x1  }
0xa3: {  	[sflag:s23] =	ssyncset.done $0x0  }
0xa4: {  	s25 =	simm.s32 $0x1B8E;
	s24 =	sld [smem:$0x3FFE];
	[sflag:s23] =	ssyncadd.s32 $0xFFFFFFFF  }
0xa5: {  	s26 =	simm.s32 $execute0_lowered;
	[smem:$0x3FD2] =	sst s25  }
0xa6: {  	s4 =	sshll.u32 s26, $0x1;
	_ =	strace $0x80000046;
	[dreg:$0x1] =	wrdreg $0xFFFFFFFF  }
0xa7: {  	s28 =	simm.s32 $_size_execute0_lowered;
	s2 =	sadd.s32 s2, s4;
	[dreg:$0x0] =	wrdreg $0x0  }
0xa8: {  	s4 =	sshll.u32 s28, $0x1;
	[dreg:$0x2] =	wrdreg s2  }
0xa9: {  	[dreg:$0x3] =	wrdreg s4  }
0xaa: {  	[dreg:$0x4] =	wrdreg $0xC0  }
0xab: {  	_ =	task [dreg:s6], $0x5FFFF  }
0xac: {  	[dreg:$0x1] =	wrdreg $0xFFFFFFFF  }
0xad: {  	[dreg:$0x0] =	wrdreg $0x60  }
0xae: {  	[dreg:$0x2] =	wrdreg s24  }
0xaf: {  	[dreg:$0x3] =	wrdreg $0x0  }
0xb0: {  	[dreg:$0x4] =	wrdreg $0x9  }
0xb1: {  	_ =	task.clear_ibuf [dreg:s6], $0x5FFFF;
	_ =	strace $0x90000046  }
0xb2: {  	s29 =	simm.s32 $0x9;
	_ =	strace $0x80000048  }
0xb3: {  	_ =	swait.ge [sflag:s29], $0x1  }
0xb4: {  	[sflag:s29] =	ssyncadd.s32 $0xFFFFFFFF  }
0xb5: {  	_ =	strace $0x90000048  }
0xb6: {  	_ =	sfence  }
0xb7: {  	s30 =	sld [smem:$0x0];
	_ =	sdelay $0x2  }
0xb8: {  	s31 =	sshll.u32 s1, $0xD;
	s1 =	sshrl.u32 s1, $0x2  }
0xb9: {  	s3 =	sand.u32 $0x4000, s31;
	s1 =	sadd.s32 s1, s30  }
0xba: {  	s0 =	sor.u32 s3, s0;
	s1 =	sshll.u32 s1, $0x11  }
0xbb: {  	s0 =	sor.u32 s1, s0  }
0xbc: {  	s0 =	sadd.s32 $0x8F2B, s0  }
0xbd: {  	[sflag:s0] =	ssyncadd.remote.s32 $0x1  }
0xbe: {  	_ =	sfence.sel $0xFFFF  }
0xbf: {  	[dreg:$0x0] =	wrdreg $0xFFFFFFFF;
	(pc) =	sbr.abs _section_cstart, $3  }
0xc0: {  	[dreg:$0x1] =	wrdreg $0xFFFFFFFF  }
0xc1: {  	_ =	task.clear_ibuf [dreg:s6], $0x2FFFF;
	_ =	strace $0x9FFFFFFF  }
0xc2: {  	(tm) =	ssettm $0x7FFFFFFF  }
0xc3: {  	_ =	shalt  }
tec
execute0_lowered:
.L_overlay_start_1:
0x0: {  	(tag) =	ssettag $0x1  }
0x1: {  	s5 =	rddreg [dreg:$0x0]  }
0x2: {  	s1 =	rddreg [dreg:$0x1]  }
0x3: {  	s0 =	rddreg [dreg:$0x2];
	s2 =	simm.s32 $0x0;
	s3 =	srdreg.scid  }
0x4: {  	s10 =	stileid.u32;
	s15 =	simm.s32 $0x80;
	s16 =	simm.s32 $0x18820  }
0x5: {  	s17 =	simm.s32 $0x18C20;
	s18 =	simm.s32 $0x19020;
	s19 =	simm.s32 $0x187A0  }
0x6: {  	v0 =	vlaneseq.u32;
	[smem:$0x7FF] =	sst s2;
	s6 =	sand.u32 $0x1, s3;
	s3 =	sadd.s32 $0x2000, s5  }
0x7: {  	s4 =	sadd.s32 $0xDDE00, s5;
	s8 =	sadd.s32 $0x1A800, s5;
	v0 =	vmul.u32 $0x8, v0;
	s11 =	sadd.s32 $0xC3500, s1  }
0x8: {  	s29 =	sshll.u32 s10, $0x4;
	s30 =	smul.u32 $0x30D0, s10;
	p0 =	sne.s32 s10, $0x0  }
0x9: {  	_ =	strace $0x80000047;
	s7 =	smul.u32 $0x186A0, s6;
	s9 =	ssub.s32 $0x2, s6;
	v1 =	vor.u32 $0x1, v0;
	v2 =	vor.u32 $0x2, v0  }
0xa: {  	s12 =	sshll.u32 s6, $0x4;
	s13 =	sadd.s32 s29, s8;
	s14 =	smul.u32 $0x30D00, s6;
	v3 =	vor.u32 $0x80, v0;
	v4 =	vor.u32 $0x81, v0;
	v5 =	vor.u32 $0x82, v0  }
0xb: {  	s11 =	sshrl.u32 @!p0 s11, $0x3;
	s28 =	sshrl.u32 s9, $0x1;
	s20 =	sor.u32 s10, s12;
	v6 =	vor.u32 $0x100, v0;
	v7 =	vor.u32 $0x101, v0;
	v8 =	vor.u32 $0x102, v0  }
.Ltmp0:
0xc: {  	s6 =	sadd.s32 $0xC3480, s13;
	v9 =	vor.u32 $0x180, v0;
	v10 =	vor.u32 $0x181, v0;
	v11 =	vor.u32 $0x182, v0;
	s10 =	sshrl.u32 @!p0 s1, $0x3;
	(pc) =	sbr.rel .LBB2_1-.Ltmp0, $4  }
0xd: {  	s12 =	simm.s32 $0x186A0;
	v12 =	vor.u32 $0x200, v0;
	v13 =	vor.u32 $0x201, v0;
	v14 =	vor.u32 $0x202, v0;
	s7 =	sadd.s32 s7, s5;
	s9 =	ssub.s32 s9, s28  }
0xe: {  	v15 =	vor.u32 $0x280, v0;
	v16 =	vor.u32 $0x281, v0;
	v17 =	vor.u32 $0x282, v0;
	s5 =	sadd.s32 $0x61A00, s13;
	s31 =	sadd.s32 s14, s8;
	s13 =	simm.s32 $0x1  }
0xf: {  	v18 =	vor.u32 $0x300, v0;
	v19 =	vor.u32 $0x301, v0;
	v20 =	vor.u32 $0x302, v0;
	s14 =	simm.s32 $0x18720;
	p1 =	sgt.u32 s20, $0x7;
	s20 =	simm.s32 $0x0  }
0x10: {  	v21 =	vor.u32 $0x380, v0;
	v22 =	vor.u32 $0x381, v0;
	v23 =	vor.u32 $0x382, v0;
	s7 =	sadd.s32 $0xF6600, s7;
	s8 =	smax.u32 s9, $0x1;
	s9 =	sadd.s32 s30, s31  }
.LBB2_5:
0x11: {  	[bflag:$0x0] =	sbarrier.arrive $0xFFFF;
	s21 =	simm.s32 @!p0 $0x1C01;
	s20 =	sadd.s32 $0x1, s20  }
0x12: {  	[hbm:s7], [sflag:s21] =	dma.local @!p0 [spmem:s11], $0x186A0  }
0x13: {  	p2 =	sne.s32 s20, s8  }
.Ltmp1:
0x14: {  	_ = 	snop;
	(pc) =	sbr.rel @!p2 .LBB2_6-.Ltmp1, $4  }
0x15: {  	s21 =	simm.s32 @!p0 $0x1  }
0x16: {  	_ =	swait.ge @!p0 [sflag:s21], $0x186A0  }
0x17: {  	[sflag:s21] =	ssyncset.done @!p0 $0x0  }
0x18: {  	[sflag:s21] =	ssyncadd.s32 @!p0 $0xFFFE7960  }
.LBB2_1:
0x19: {  	s21 =	simm.s32 @!p0 $0x1C01;
	s22 =	simm.s32 @!p0 $0x1  }
0x1a: {  	[spmem:s10], [sflag:s21] =	dma.local @!p0 [hbm:s3], $0x186A0  }
0x1b: {  	_ =	swait.ge @!p0 [sflag:s22], $0x186A0  }
0x1c: {  	[sflag:s22] =	ssyncset.done @!p0 $0x0  }
0x1d: {  	[sflag:s22] =	ssyncadd.s32 @!p0 $0xFFFE7960  }
0x1e: {  	[spmem:s11], [sflag:s21] =	dma.local @!p0 [hbm:s4], $0x186A0  }
0x1f: {  	_ =	swait.ge @!p0 [sflag:s22], $0x186A0  }
0x20: {  	[sflag:s22] =	ssyncset.done @!p0 $0x0  }
0x21: {  	[sflag:s22] =	ssyncadd.s32 @!p0 $0xFFFE7960  }
0x22: {  	s21 =	simm.s32 $0x0;
	[bflag:$0x0] =	sbarrier.arrive $0xFFFF  }
.LBB2_2:
0x23: {  	s22 =	sadd.s32 s21, s9  }
0x24: {  	[tilespmem:s12], [sflag:$0x1] =	stream.linear.gather [hbm4b:s22+s2], $0x80, $0x38;
	[tilespmem:$0x19420] =	vst v63  }
0x25: {  	_ =	swait.ge [sflag:s13], $0x80  }
0x26: {  	[sflag:s13] =	ssyncset.done $0x0  }
0x27: {  	s22 =	sadd.s32 $0x61A80, s22;
	[sflag:s13] =	ssyncadd.s32 $0xFFFFFF80  }
0x28: {  	[tilespmem:s14], [sflag:$0x1] =	stream.linear.gather [hbm4b:s22+s2], $0x80, $0x38;
	[tilespmem:$0x19420] =	vst v63  }
0x29: {  	_ =	swait.ge [sflag:s13], $0x80  }
0x2a: {  	[sflag:s13] =	ssyncset.done $0x0  }
0x2b: {  	[sflag:s13] =	ssyncadd.s32 $0xFFFFFF80  }
0x2c: {  	v24 =	vld [tilespmem:$0x18720]  }
0x2d: {  	v25 =	vld [tilespmem:$0x18730]  }
0x2e: {  	v26 =	vld [tilespmem:$0x18740]  }
0x2f: {  	v27 =	vld [tilespmem:$0x18750]  }
0x30: {  	v28 =	vld [tilespmem:$0x18760]  }
0x31: {  	v29 =	vld [tilespmem:$0x18770];
	v24 =	vadd.s32 $0x186A0, v24  }
0x32: {  	v38 =	vld [tilespmem:$0x18780];
	v37 =	vadd.s32 $0x186A0, v25;
	[tilespmem:$0x187A0] =	vst v24  }
0x33: {  	v40 =	vld [tilespmem:$0x18790];
	v39 =	vadd.s32 $0x186A0, v26;
	[tilespmem:$0x187B0] =	vst v37  }
0x34: {  	v41 =	vadd.s32 $0x186A0, v27;
	[tilespmem:$0x187C0] =	vst v39  }
0x35: {  	v42 =	vadd.s32 $0x186A0, v28;
	[tilespmem:$0x187D0] =	vst v41  }
0x36: {  	v43 =	vadd.s32 $0x186A0, v29;
	[tilespmem:$0x187E0] =	vst v42  }
0x37: {  	v44 =	vadd.s32 $0x186A0, v38;
	[tilespmem:$0x187F0] =	vst v43  }
0x38: {  	v45 =	vadd.s32 $0x186A0, v40;
	[tilespmem:$0x18800] =	vst v44  }
0x39: {  	[tilespmem:$0x18810] =	vst v45  }
0x3a: {  	[tilespmem:s16], [sflag:$0x1] =	stream.indirect.gather [spmem:s1], $0x8, s12, s15, $0xb8;
	[tilespmem:$0x19420] =	vst v63  }
0x3b: {  	_ =	swait.ge [sflag:s13], $0x400  }
0x3c: {  	[sflag:s13] =	ssyncset.done $0x0  }
0x3d: {  	[sflag:s13] =	ssyncadd.s32 $0xFFFFFC00  }
0x3e: {  	[tilespmem:s17], [sflag:$0x1] =	stream.indirect.gather [spmem:s1], $0x8, s14, s15, $0xb8;
	[tilespmem:$0x19420] =	vst v63  }
0x3f: {  	_ =	swait.ge [sflag:s13], $0x400  }
0x40: {  	[sflag:s13] =	ssyncset.done $0x0  }
0x41: {  	[sflag:s13] =	ssyncadd.s32 $0xFFFFFC00  }
0x42: {  	v46 =	vld.idx.msk [tilespmem:v0+s16+$0x0], $0xffff  }
0x43: {  	v47 =	vld.idx.msk [tilespmem:v1+s16+$0x0], $0xffff  }
0x44: {  	v48 =	vld.idx.msk [tilespmem:v0+s17+$0x0], $0xffff  }
0x45: {  	v49 =	vld.idx.msk [tilespmem:v1+s17+$0x0], $0xffff  }
0x46: {  	v50 =	vld.idx.msk [tilespmem:v2+s16+$0x0], $0xffff  }
0x47: {  	v51 =	vld.idx.msk [tilespmem:v2+s17+$0x0], $0xffff;
	_ =	sdelay $0x2  }
0x48: {  	v24 =	vsub.f32 v46, v48;
	v25 =	vsub.f32 v47, v49;
	_ =	sdelay $0x1  }
0x49: {  	v52 =	vsub.f32 v50, v51;
	v53 =	vmul.f32 v24, v24;
	v54 =	vmul.f32 v25, v25;
	_ =	sdelay $0x1  }
0x4a: {  	v55 =	vmul.f32 v52, v52;
	v27 =	vadd.f32 v54, v53;
	_ =	sdelay $0x1  }
0x4b: {  	v27 =	vadd.f32 v55, v27;
	_ =	sdelay $0x1  }
0x4c: {  	vm0 =	veq.f32 v27, $0.0e+00  }
0x4d: {  	v27 =	vsel vm0, $0x3F800000, v27  }
0x4e: {  	(erf) = vrcp.f32 v27;
	_ =	sdelay $0x8  }
0x4f: {  	v27 =	vpop (erf)  }
0x50: {  	v56 =	vmul.f32 v27, v27;
	_ =	sdelay $0x1  }
0x51: {  	v27 =	vmul.f32 v56, v27  }
0x52: {  	v28 =	vmul.f32 v56, v56  }
0x53: {  	v27 =	vmul.f32 $4.800000000e+01, v27  }
0x54: {  	v28 =	vsel vm0, $0x0, v28  }
0x55: {  	v24 =	vmul.f32 v28, v24;
	v27 =	vadd.f32 $-2.400000000e+01, v27  }
0x56: {  	v25 =	vmul.f32 v28, v25  }
0x57: {  	v26 =	vmul.f32 v28, v52;
	v24 =	vmul.f32 v27, v24  }
0x58: {  	v25 =	vmul.f32 v27, v25  }
0x59: {  	v57 =	vmul.f32 v27, v26;
	[tilespmem:v0+s18+$0x0] =	vst.idx.msk $0xffff, v24  }
0x5a: {  	[tilespmem:v1+s18+$0x0] =	vst.idx.msk $0xffff, v25  }
0x5b: {  	[tilespmem:v2+s18+$0x0] =	vst.idx.msk $0xffff, v57  }
0x5c: {  	v24 =	vld.idx.msk [tilespmem:v3+s16+$0x0], $0xffff  }
0x5d: {  	v25 =	vld.idx.msk [tilespmem:v4+s16+$0x0], $0xffff  }
0x5e: {  	v58 =	vld.idx.msk [tilespmem:v3+s17+$0x0], $0xffff  }
0x5f: {  	v59 =	vld.idx.msk [tilespmem:v4+s17+$0x0], $0xffff  }
0x60: {  	v60 =	vld.idx.msk [tilespmem:v5+s16+$0x0], $0xffff  }
0x61: {  	v61 =	vld.idx.msk [tilespmem:v5+s17+$0x0], $0xffff;
	_ =	sdelay $0x2  }
0x62: {  	v24 =	vsub.f32 v24, v58;
	v25 =	vsub.f32 v25, v59;
	_ =	sdelay $0x1  }
0x63: {  	v62 =	vsub.f32 v60, v61;
	v63 =	vmul.f32 v24, v24;
	v32 =	vmul.f32 v25, v25;
	_ =	sdelay $0x1  }
0x64: {  	v33 =	vmul.f32 v62, v62;
	v27 =	vadd.f32 v32, v63;
	_ =	sdelay $0x1  }
0x65: {  	v27 =	vadd.f32 v33, v27;
	_ =	sdelay $0x1  }
0x66: {  	vm9 =	veq.f32 v27, $0.0e+00  }
0x67: {  	v27 =	vsel vm9, $0x3F800000, v27  }
0x68: {  	(erf) = vrcp.f32 v27;
	_ =	sdelay $0x8  }
0x69: {  	v27 =	vpop (erf)  }
0x6a: {  	v34 =	vmul.f32 v27, v27;
	_ =	sdelay $0x1  }
0x6b: {  	v27 =	vmul.f32 v34, v27  }
0x6c: {  	v28 =	vmul.f32 v34, v34  }
0x6d: {  	v27 =	vmul.f32 $4.800000000e+01, v27  }
0x6e: {  	v28 =	vsel vm9, $0x0, v28  }
0x6f: {  	v24 =	vmul.f32 v28, v24;
	v27 =	vadd.f32 $-2.400000000e+01, v27  }
0x70: {  	v25 =	vmul.f32 v28, v25  }
0x71: {  	v26 =	vmul.f32 v28, v62;
	v24 =	vmul.f32 v27, v24  }
0x72: {  	v25 =	vmul.f32 v27, v25  }
0x73: {  	v35 =	vmul.f32 v27, v26;
	[tilespmem:v3+s18+$0x0] =	vst.idx.msk $0xffff, v24  }
0x74: {  	[tilespmem:v4+s18+$0x0] =	vst.idx.msk $0xffff, v25  }
0x75: {  	[tilespmem:v5+s18+$0x0] =	vst.idx.msk $0xffff, v35  }
0x76: {  	v24 =	vld.idx.msk [tilespmem:v6+s16+$0x0], $0xffff  }
0x77: {  	v25 =	vld.idx.msk [tilespmem:v7+s16+$0x0], $0xffff  }
0x78: {  	v36 =	vld.idx.msk [tilespmem:v6+s17+$0x0], $0xffff  }
0x79: {  	v37 =	vld.idx.msk [tilespmem:v7+s17+$0x0], $0xffff  }
0x7a: {  	v38 =	vld.idx.msk [tilespmem:v8+s16+$0x0], $0xffff  }
0x7b: {  	v39 =	vld.idx.msk [tilespmem:v8+s17+$0x0], $0xffff;
	_ =	sdelay $0x2  }
0x7c: {  	v24 =	vsub.f32 v24, v36;
	v25 =	vsub.f32 v25, v37;
	_ =	sdelay $0x1  }
0x7d: {  	v40 =	vsub.f32 v38, v39;
	v41 =	vmul.f32 v24, v24;
	v42 =	vmul.f32 v25, v25;
	_ =	sdelay $0x1  }
0x7e: {  	v43 =	vmul.f32 v40, v40;
	v27 =	vadd.f32 v42, v41;
	_ =	sdelay $0x1  }
0x7f: {  	v27 =	vadd.f32 v43, v27;
	_ =	sdelay $0x1  }
0x80: {  	vm10 =	veq.f32 v27, $0.0e+00  }
0x81: {  	v27 =	vsel vm10, $0x3F800000, v27  }
0x82: {  	(erf) = vrcp.f32 v27;
	_ =	sdelay $0x8  }
0x83: {  	v27 =	vpop (erf)  }
0x84: {  	v44 =	vmul.f32 v27, v27;
	_ =	sdelay $0x1  }
0x85: {  	v27 =	vmul.f32 v44, v27  }
0x86: {  	v28 =	vmul.f32 v44, v44  }
0x87: {  	v27 =	vmul.f32 $4.800000000e+01, v27  }
0x88: {  	v28 =	vsel vm10, $0x0, v28  }
0x89: {  	v24 =	vmul.f32 v28, v24;
	v27 =	vadd.f32 $-2.400000000e+01, v27  }
0x8a: {  	v25 =	vmul.f32 v28, v25  }
0x8b: {  	v26 =	vmul.f32 v28, v40;
	v24 =	vmul.f32 v27, v24  }
0x8c: {  	v25 =	vmul.f32 v27, v25  }
0x8d: {  	v45 =	vmul.f32 v27, v26;
	[tilespmem:v6+s18+$0x0] =	vst.idx.msk $0xffff, v24  }
0x8e: {  	[tilespmem:v7+s18+$0x0] =	vst.idx.msk $0xffff, v25  }
0x8f: {  	[tilespmem:v8+s18+$0x0] =	vst.idx.msk $0xffff, v45  }
0x90: {  	v24 =	vld.idx.msk [tilespmem:v9+s16+$0x0], $0xffff  }
0x91: {  	v25 =	vld.idx.msk [tilespmem:v10+s16+$0x0], $0xffff  }
0x92: {  	v46 =	vld.idx.msk [tilespmem:v9+s17+$0x0], $0xffff  }
0x93: {  	v47 =	vld.idx.msk [tilespmem:v10+s17+$0x0], $0xffff  }
0x94: {  	v48 =	vld.idx.msk [tilespmem:v11+s16+$0x0], $0xffff  }
0x95: {  	v49 =	vld.idx.msk [tilespmem:v11+s17+$0x0], $0xffff;
	_ =	sdelay $0x2  }
0x96: {  	v24 =	vsub.f32 v24, v46;
	v25 =	vsub.f32 v25, v47;
	_ =	sdelay $0x1  }
0x97: {  	v50 =	vsub.f32 v48, v49;
	v51 =	vmul.f32 v24, v24;
	v52 =	vmul.f32 v25, v25;
	_ =	sdelay $0x1  }
0x98: {  	v53 =	vmul.f32 v50, v50;
	v27 =	vadd.f32 v52, v51;
	_ =	sdelay $0x1  }
0x99: {  	v27 =	vadd.f32 v53, v27;
	_ =	sdelay $0x1  }
0x9a: {  	vm11 =	veq.f32 v27, $0.0e+00  }
0x9b: {  	v27 =	vsel vm11, $0x3F800000, v27  }
0x9c: {  	(erf) = vrcp.f32 v27;
	_ =	sdelay $0x8  }
0x9d: {  	v27 =	vpop (erf)  }
0x9e: {  	v54 =	vmul.f32 v27, v27;
	_ =	sdelay $0x1  }
0x9f: {  	v27 =	vmul.f32 v54, v27  }
0xa0: {  	v28 =	vmul.f32 v54, v54  }
0xa1: {  	v27 =	vmul.f32 $4.800000000e+01, v27  }
0xa2: {  	v28 =	vsel vm11, $0x0, v28  }
0xa3: {  	v24 =	vmul.f32 v28, v24;
	v27 =	vadd.f32 $-2.400000000e+01, v27  }
0xa4: {  	v25 =	vmul.f32 v28, v25  }
0xa5: {  	v26 =	vmul.f32 v28, v50;
	v24 =	vmul.f32 v27, v24  }
0xa6: {  	v25 =	vmul.f32 v27, v25  }
0xa7: {  	v55 =	vmul.f32 v27, v26;
	[tilespmem:v9+s18+$0x0] =	vst.idx.msk $0xffff, v24  }
0xa8: {  	[tilespmem:v10+s18+$0x0] =	vst.idx.msk $0xffff, v25  }
0xa9: {  	[tilespmem:v11+s18+$0x0] =	vst.idx.msk $0xffff, v55  }
0xaa: {  	v24 =	vld.idx.msk [tilespmem:v12+s16+$0x0], $0xffff  }
0xab: {  	v25 =	vld.idx.msk [tilespmem:v13+s16+$0x0], $0xffff  }
0xac: {  	v56 =	vld.idx.msk [tilespmem:v12+s17+$0x0], $0xffff  }
0xad: {  	v57 =	vld.idx.msk [tilespmem:v13+s17+$0x0], $0xffff  }
0xae: {  	v58 =	vld.idx.msk [tilespmem:v14+s16+$0x0], $0xffff  }
0xaf: {  	v59 =	vld.idx.msk [tilespmem:v14+s17+$0x0], $0xffff;
	_ =	sdelay $0x2  }
0xb0: {  	v24 =	vsub.f32 v24, v56;
	v25 =	vsub.f32 v25, v57;
	_ =	sdelay $0x1  }
0xb1: {  	v60 =	vsub.f32 v58, v59;
	v61 =	vmul.f32 v24, v24;
	v62 =	vmul.f32 v25, v25;
	_ =	sdelay $0x1  }
0xb2: {  	v63 =	vmul.f32 v60, v60;
	v27 =	vadd.f32 v62, v61;
	_ =	sdelay $0x1  }
0xb3: {  	v27 =	vadd.f32 v63, v27;
	_ =	sdelay $0x1  }
0xb4: {  	vm12 =	veq.f32 v27, $0.0e+00  }
0xb5: {  	v27 =	vsel vm12, $0x3F800000, v27  }
0xb6: {  	(erf) = vrcp.f32 v27;
	_ =	sdelay $0x8  }
0xb7: {  	v27 =	vpop (erf)  }
0xb8: {  	v32 =	vmul.f32 v27, v27;
	_ =	sdelay $0x1  }
0xb9: {  	v27 =	vmul.f32 v32, v27  }
0xba: {  	v28 =	vmul.f32 v32, v32  }
0xbb: {  	v27 =	vmul.f32 $4.800000000e+01, v27  }
0xbc: {  	v28 =	vsel vm12, $0x0, v28  }
0xbd: {  	v24 =	vmul.f32 v28, v24;
	v27 =	vadd.f32 $-2.400000000e+01, v27  }
0xbe: {  	v25 =	vmul.f32 v28, v25  }
0xbf: {  	v26 =	vmul.f32 v28, v60;
	v24 =	vmul.f32 v27, v24  }
0xc0: {  	v25 =	vmul.f32 v27, v25  }
0xc1: {  	v33 =	vmul.f32 v27, v26;
	[tilespmem:v12+s18+$0x0] =	vst.idx.msk $0xffff, v24  }
0xc2: {  	[tilespmem:v13+s18+$0x0] =	vst.idx.msk $0xffff, v25  }
0xc3: {  	[tilespmem:v14+s18+$0x0] =	vst.idx.msk $0xffff, v33  }
0xc4: {  	v24 =	vld.idx.msk [tilespmem:v15+s16+$0x0], $0xffff  }
0xc5: {  	v25 =	vld.idx.msk [tilespmem:v16+s16+$0x0], $0xffff  }
0xc6: {  	v34 =	vld.idx.msk [tilespmem:v15+s17+$0x0], $0xffff  }
0xc7: {  	v35 =	vld.idx.msk [tilespmem:v16+s17+$0x0], $0xffff  }
0xc8: {  	v36 =	vld.idx.msk [tilespmem:v17+s16+$0x0], $0xffff  }
0xc9: {  	v37 =	vld.idx.msk [tilespmem:v17+s17+$0x0], $0xffff;
	_ =	sdelay $0x2  }
0xca: {  	v24 =	vsub.f32 v24, v34;
	v25 =	vsub.f32 v25, v35;
	_ =	sdelay $0x1  }
0xcb: {  	v38 =	vsub.f32 v36, v37;
	v39 =	vmul.f32 v24, v24;
	v40 =	vmul.f32 v25, v25;
	_ =	sdelay $0x1  }
0xcc: {  	v41 =	vmul.f32 v38, v38;
	v27 =	vadd.f32 v40, v39;
	_ =	sdelay $0x1  }
0xcd: {  	v27 =	vadd.f32 v41, v27;
	_ =	sdelay $0x1  }
0xce: {  	vm13 =	veq.f32 v27, $0.0e+00  }
0xcf: {  	v27 =	vsel vm13, $0x3F800000, v27  }
0xd0: {  	(erf) = vrcp.f32 v27;
	_ =	sdelay $0x8  }
0xd1: {  	v27 =	vpop (erf)  }
0xd2: {  	v42 =	vmul.f32 v27, v27;
	_ =	sdelay $0x1  }
0xd3: {  	v27 =	vmul.f32 v42, v27  }
0xd4: {  	v28 =	vmul.f32 v42, v42  }
0xd5: {  	v27 =	vmul.f32 $4.800000000e+01, v27  }
0xd6: {  	v28 =	vsel vm13, $0x0, v28  }
0xd7: {  	v24 =	vmul.f32 v28, v24;
	v27 =	vadd.f32 $-2.400000000e+01, v27  }
0xd8: {  	v25 =	vmul.f32 v28, v25  }
0xd9: {  	v26 =	vmul.f32 v28, v38;
	v24 =	vmul.f32 v27, v24  }
0xda: {  	v25 =	vmul.f32 v27, v25  }
0xdb: {  	v43 =	vmul.f32 v27, v26;
	[tilespmem:v15+s18+$0x0] =	vst.idx.msk $0xffff, v24  }
0xdc: {  	[tilespmem:v16+s18+$0x0] =	vst.idx.msk $0xffff, v25  }
0xdd: {  	[tilespmem:v17+s18+$0x0] =	vst.idx.msk $0xffff, v43  }
0xde: {  	v24 =	vld.idx.msk [tilespmem:v18+s16+$0x0], $0xffff  }
0xdf: {  	v25 =	vld.idx.msk [tilespmem:v19+s16+$0x0], $0xffff  }
0xe0: {  	v44 =	vld.idx.msk [tilespmem:v18+s17+$0x0], $0xffff  }
0xe1: {  	v45 =	vld.idx.msk [tilespmem:v19+s17+$0x0], $0xffff  }
0xe2: {  	v46 =	vld.idx.msk [tilespmem:v20+s16+$0x0], $0xffff  }
0xe3: {  	v47 =	vld.idx.msk [tilespmem:v20+s17+$0x0], $0xffff;
	_ =	sdelay $0x2  }
0xe4: {  	v24 =	vsub.f32 v24, v44;
	v25 =	vsub.f32 v25, v45;
	_ =	sdelay $0x1  }
0xe5: {  	v48 =	vsub.f32 v46, v47;
	v49 =	vmul.f32 v24, v24;
	v50 =	vmul.f32 v25, v25;
	_ =	sdelay $0x1  }
0xe6: {  	v51 =	vmul.f32 v48, v48;
	v27 =	vadd.f32 v50, v49;
	_ =	sdelay $0x1  }
0xe7: {  	v27 =	vadd.f32 v51, v27;
	_ =	sdelay $0x1  }
0xe8: {  	vm14 =	veq.f32 v27, $0.0e+00  }
0xe9: {  	v27 =	vsel vm14, $0x3F800000, v27  }
0xea: {  	(erf) = vrcp.f32 v27;
	_ =	sdelay $0x8  }
0xeb: {  	v27 =	vpop (erf)  }
0xec: {  	v52 =	vmul.f32 v27, v27;
	_ =	sdelay $0x1  }
0xed: {  	v27 =	vmul.f32 v52, v27  }
0xee: {  	v28 =	vmul.f32 v52, v52  }
0xef: {  	v27 =	vmul.f32 $4.800000000e+01, v27  }
0xf0: {  	v28 =	vsel vm14, $0x0, v28  }
0xf1: {  	v24 =	vmul.f32 v28, v24;
	v27 =	vadd.f32 $-2.400000000e+01, v27  }
0xf2: {  	v25 =	vmul.f32 v28, v25  }
0xf3: {  	v26 =	vmul.f32 v28, v48;
	v24 =	vmul.f32 v27, v24  }
0xf4: {  	v25 =	vmul.f32 v27, v25  }
0xf5: {  	v53 =	vmul.f32 v27, v26;
	[tilespmem:v18+s18+$0x0] =	vst.idx.msk $0xffff, v24  }
0xf6: {  	[tilespmem:v19+s18+$0x0] =	vst.idx.msk $0xffff, v25  }
0xf7: {  	[tilespmem:v20+s18+$0x0] =	vst.idx.msk $0xffff, v53  }
0xf8: {  	v24 =	vld.idx.msk [tilespmem:v21+s16+$0x0], $0xffff  }
0xf9: {  	v25 =	vld.idx.msk [tilespmem:v22+s16+$0x0], $0xffff  }
0xfa: {  	v54 =	vld.idx.msk [tilespmem:v21+s17+$0x0], $0xffff  }
0xfb: {  	v55 =	vld.idx.msk [tilespmem:v22+s17+$0x0], $0xffff  }
0xfc: {  	v56 =	vld.idx.msk [tilespmem:v23+s16+$0x0], $0xffff  }
0xfd: {  	v57 =	vld.idx.msk [tilespmem:v23+s17+$0x0], $0xffff;
	_ =	sdelay $0x2  }
0xfe: {  	v24 =	vsub.f32 v24, v54;
	v25 =	vsub.f32 v25, v55;
	_ =	sdelay $0x1  }
0xff: {  	v58 =	vsub.f32 v56, v57;
	v59 =	vmul.f32 v24, v24;
	v60 =	vmul.f32 v25, v25;
	_ =	sdelay $0x1  }
0x100: {  	v61 =	vmul.f32 v58, v58;
	v27 =	vadd.f32 v60, v59;
	_ =	sdelay $0x1  }
0x101: {  	v27 =	vadd.f32 v61, v27;
	_ =	sdelay $0x1  }
0x102: {  	vm15 =	veq.f32 v27, $0.0e+00  }
0x103: {  	v27 =	vsel vm15, $0x3F800000, v27  }
0x104: {  	(erf) = vrcp.f32 v27;
	_ =	sdelay $0x8  }
0x105: {  	v27 =	vpop (erf)  }
0x106: {  	v62 =	vmul.f32 v27, v27;
	_ =	sdelay $0x1  }
0x107: {  	v27 =	vmul.f32 v62, v27  }
0x108: {  	v28 =	vmul.f32 v62, v62  }
0x109: {  	v27 =	vmul.f32 $4.800000000e+01, v27  }
0x10a: {  	v28 =	vsel vm15, $0x0, v28  }
0x10b: {  	v24 =	vmul.f32 v28, v24;
	v27 =	vadd.f32 $-2.400000000e+01, v27  }
0x10c: {  	v25 =	vmul.f32 v28, v25  }
0x10d: {  	v26 =	vmul.f32 v28, v58;
	v24 =	vmul.f32 v27, v24  }
0x10e: {  	v25 =	vmul.f32 v27, v25  }
0x10f: {  	v63 =	vmul.f32 v27, v26;
	[tilespmem:v21+s18+$0x0] =	vst.idx.msk $0xffff, v24  }
0x110: {  	p2 =	sne.s32 s21, $0x30C0;
	[tilespmem:v22+s18+$0x0] =	vst.idx.msk $0xffff, v25  }
.Ltmp2:
0x111: {  	[tilespmem:v23+s18+$0x0] =	vst.idx.msk $0xffff, v63;
	(pc) =	sbr.rel @p2 .LBB2_2-.Ltmp2, $4  }
0x112: {  	[spmem:s1] =	stream.indirect.scatter.add.f32 [tilespmem:s18], [sflag:$0x1], $0x8, s19, s15, $0xb8;
	[tilespmem:$0x19420] =	vst v63  }
0x113: {  	_ =	swait.ge [sflag:s13], $0x400  }
0x114: {  	[sflag:s13] =	ssyncset.done $0x0  }
0x115: {  	s21 =	sadd.s32 $0x10, s21;
	[sflag:s13] =	ssyncadd.s32 $0xFFFFFC00  }
.Ltmp3:
0x116: {  	(pc) =	sbr.rel @p1 .LBB2_5-.Ltmp3, $1  }
0x117: {  	_ =	sdelay $0x3  }
0x118: {  	[tilespmem:s12], [sflag:$0x1] =	stream.linear.gather [hbm4b:s5+s2], $0x80, $0x38;
	[tilespmem:$0x19420] =	vst v63  }
0x119: {  	_ =	swait.ge [sflag:s13], $0x80  }
0x11a: {  	[sflag:s13] =	ssyncset.done $0x0  }
0x11b: {  	[sflag:s13] =	ssyncadd.s32 $0xFFFFFF80  }
0x11c: {  	[tilespmem:s14], [sflag:$0x1] =	stream.linear.gather [hbm4b:s6+s2], $0x80, $0x38;
	[tilespmem:$0x19420] =	vst v63  }
0x11d: {  	_ =	swait.ge [sflag:s13], $0x80  }
0x11e: {  	[sflag:s13] =	ssyncset.done $0x0  }
0x11f: {  	[sflag:s13] =	ssyncadd.s32 $0xFFFFFF80  }
0x120: {  	v24 =	vld [tilespmem:$0x18720]  }
0x121: {  	v25 =	vld [tilespmem:$0x18730]  }
0x122: {  	v26 =	vld [tilespmem:$0x18740]  }
0x123: {  	v27 =	vld [tilespmem:$0x18750]  }
0x124: {  	v28 =	vld [tilespmem:$0x18760]  }
0x125: {  	v29 =	vld [tilespmem:$0x18770];
	v24 =	vadd.s32 $0x186A0, v24  }
0x126: {  	v38 =	vld [tilespmem:$0x18780];
	v37 =	vadd.s32 $0x186A0, v25;
	[tilespmem:$0x187A0] =	vst v24  }
0x127: {  	v40 =	vld [tilespmem:$0x18790];
	v39 =	vadd.s32 $0x186A0, v26;
	[tilespmem:$0x187B0] =	vst v37  }
0x128: {  	v41 =	vadd.s32 $0x186A0, v27;
	[tilespmem:$0x187C0] =	vst v39  }
0x129: {  	v42 =	vadd.s32 $0x186A0, v28;
	[tilespmem:$0x187D0] =	vst v41  }
0x12a: {  	v43 =	vadd.s32 $0x186A0, v29;
	[tilespmem:$0x187E0] =	vst v42  }
0x12b: {  	v44 =	vadd.s32 $0x186A0, v38;
	[tilespmem:$0x187F0] =	vst v43  }
0x12c: {  	v45 =	vadd.s32 $0x186A0, v40;
	[tilespmem:$0x18800] =	vst v44  }
0x12d: {  	[tilespmem:$0x18810] =	vst v45  }
0x12e: {  	[tilespmem:s16], [sflag:$0x1] =	stream.indirect.gather [spmem:s1], $0x8, s12, s15, $0xb8;
	[tilespmem:$0x19420] =	vst v63  }
0x12f: {  	_ =	swait.ge [sflag:s13], $0x400  }
0x130: {  	[sflag:s13] =	ssyncset.done $0x0  }
0x131: {  	[sflag:s13] =	ssyncadd.s32 $0xFFFFFC00  }
0x132: {  	[tilespmem:s17], [sflag:$0x1] =	stream.indirect.gather [spmem:s1], $0x8, s14, s15, $0xb8;
	[tilespmem:$0x19420] =	vst v63  }
0x133: {  	_ =	swait.ge [sflag:s13], $0x400  }
0x134: {  	[sflag:s13] =	ssyncset.done $0x0  }
0x135: {  	[sflag:s13] =	ssyncadd.s32 $0xFFFFFC00  }
0x136: {  	v46 =	vld.idx.msk [tilespmem:v0+s16+$0x0], $0xffff  }
0x137: {  	v47 =	vld.idx.msk [tilespmem:v1+s16+$0x0], $0xffff  }
0x138: {  	v48 =	vld.idx.msk [tilespmem:v0+s17+$0x0], $0xffff  }
0x139: {  	v49 =	vld.idx.msk [tilespmem:v1+s17+$0x0], $0xffff  }
0x13a: {  	v50 =	vld.idx.msk [tilespmem:v2+s16+$0x0], $0xffff  }
0x13b: {  	v51 =	vld.idx.msk [tilespmem:v2+s17+$0x0], $0xffff;
	_ =	sdelay $0x2  }
0x13c: {  	v24 =	vsub.f32 v46, v48;
	v25 =	vsub.f32 v47, v49;
	_ =	sdelay $0x1  }
0x13d: {  	v52 =	vsub.f32 v50, v51;
	v53 =	vmul.f32 v24, v24;
	v54 =	vmul.f32 v25, v25;
	_ =	sdelay $0x1  }
0x13e: {  	v55 =	vmul.f32 v52, v52;
	v27 =	vadd.f32 v54, v53;
	_ =	sdelay $0x1  }
0x13f: {  	v27 =	vadd.f32 v55, v27;
	_ =	sdelay $0x1  }
0x140: {  	vm0 =	veq.f32 v27, $0.0e+00  }
0x141: {  	v27 =	vsel vm0, $0x3F800000, v27  }
0x142: {  	(erf) = vrcp.f32 v27;
	_ =	sdelay $0x8  }
0x143: {  	v27 =	vpop (erf)  }
0x144: {  	v56 =	vmul.f32 v27, v27;
	_ =	sdelay $0x1  }
0x145: {  	v27 =	vmul.f32 v56, v27  }
0x146: {  	v28 =	vmul.f32 v56, v56  }
0x147: {  	v27 =	vmul.f32 $4.800000000e+01, v27  }
0x148: {  	v28 =	vsel vm0, $0x0, v28  }
0x149: {  	v24 =	vmul.f32 v28, v24;
	v27 =	vadd.f32 $-2.400000000e+01, v27  }
0x14a: {  	v25 =	vmul.f32 v28, v25  }
0x14b: {  	v26 =	vmul.f32 v28, v52;
	v24 =	vmul.f32 v27, v24  }
0x14c: {  	v25 =	vmul.f32 v27, v25  }
0x14d: {  	v57 =	vmul.f32 v27, v26;
	[tilespmem:v0+s18+$0x0] =	vst.idx.msk $0xffff, v24  }
0x14e: {  	[tilespmem:v1+s18+$0x0] =	vst.idx.msk $0xffff, v25  }
0x14f: {  	[tilespmem:v2+s18+$0x0] =	vst.idx.msk $0xffff, v57  }
0x150: {  	v24 =	vld.idx.msk [tilespmem:v3+s16+$0x0], $0xffff  }
0x151: {  	v25 =	vld.idx.msk [tilespmem:v4+s16+$0x0], $0xffff  }
0x152: {  	v58 =	vld.idx.msk [tilespmem:v3+s17+$0x0], $0xffff  }
0x153: {  	v59 =	vld.idx.msk [tilespmem:v4+s17+$0x0], $0xffff  }
0x154: {  	v60 =	vld.idx.msk [tilespmem:v5+s16+$0x0], $0xffff  }
0x155: {  	v61 =	vld.idx.msk [tilespmem:v5+s17+$0x0], $0xffff;
	_ =	sdelay $0x2  }
0x156: {  	v24 =	vsub.f32 v24, v58;
	v25 =	vsub.f32 v25, v59;
	_ =	sdelay $0x1  }
0x157: {  	v62 =	vsub.f32 v60, v61;
	v63 =	vmul.f32 v24, v24;
	v32 =	vmul.f32 v25, v25;
	_ =	sdelay $0x1  }
0x158: {  	v33 =	vmul.f32 v62, v62;
	v27 =	vadd.f32 v32, v63;
	_ =	sdelay $0x1  }
0x159: {  	v27 =	vadd.f32 v33, v27;
	_ =	sdelay $0x1  }
0x15a: {  	vm9 =	veq.f32 v27, $0.0e+00  }
0x15b: {  	v27 =	vsel vm9, $0x3F800000, v27  }
0x15c: {  	(erf) = vrcp.f32 v27;
	_ =	sdelay $0x8  }
0x15d: {  	v27 =	vpop (erf)  }
0x15e: {  	v34 =	vmul.f32 v27, v27;
	_ =	sdelay $0x1  }
0x15f: {  	v27 =	vmul.f32 v34, v27  }
0x160: {  	v28 =	vmul.f32 v34, v34  }
0x161: {  	v27 =	vmul.f32 $4.800000000e+01, v27  }
0x162: {  	v28 =	vsel vm9, $0x0, v28  }
0x163: {  	v24 =	vmul.f32 v28, v24;
	v27 =	vadd.f32 $-2.400000000e+01, v27  }
0x164: {  	v25 =	vmul.f32 v28, v25  }
0x165: {  	v26 =	vmul.f32 v28, v62;
	v24 =	vmul.f32 v27, v24  }
0x166: {  	v25 =	vmul.f32 v27, v25  }
0x167: {  	v35 =	vmul.f32 v27, v26;
	[tilespmem:v3+s18+$0x0] =	vst.idx.msk $0xffff, v24  }
0x168: {  	[tilespmem:v4+s18+$0x0] =	vst.idx.msk $0xffff, v25  }
0x169: {  	[tilespmem:v5+s18+$0x0] =	vst.idx.msk $0xffff, v35  }
0x16a: {  	v24 =	vld.idx.msk [tilespmem:v6+s16+$0x0], $0xffff  }
0x16b: {  	v25 =	vld.idx.msk [tilespmem:v7+s16+$0x0], $0xffff  }
0x16c: {  	v36 =	vld.idx.msk [tilespmem:v6+s17+$0x0], $0xffff  }
0x16d: {  	v37 =	vld.idx.msk [tilespmem:v7+s17+$0x0], $0xffff  }
0x16e: {  	v38 =	vld.idx.msk [tilespmem:v8+s16+$0x0], $0xffff  }
0x16f: {  	v39 =	vld.idx.msk [tilespmem:v8+s17+$0x0], $0xffff;
	_ =	sdelay $0x2  }
0x170: {  	v24 =	vsub.f32 v24, v36;
	v25 =	vsub.f32 v25, v37;
	_ =	sdelay $0x1  }
0x171: {  	v40 =	vsub.f32 v38, v39;
	v41 =	vmul.f32 v24, v24;
	v42 =	vmul.f32 v25, v25;
	_ =	sdelay $0x1  }
0x172: {  	v43 =	vmul.f32 v40, v40;
	v27 =	vadd.f32 v42, v41;
	_ =	sdelay $0x1  }
0x173: {  	v27 =	vadd.f32 v43, v27;
	_ =	sdelay $0x1  }
0x174: {  	vm10 =	veq.f32 v27, $0.0e+00  }
0x175: {  	v27 =	vsel vm10, $0x3F800000, v27  }
0x176: {  	(erf) = vrcp.f32 v27;
	_ =	sdelay $0x8  }
0x177: {  	v27 =	vpop (erf)  }
0x178: {  	v44 =	vmul.f32 v27, v27;
	_ =	sdelay $0x1  }
0x179: {  	v27 =	vmul.f32 v44, v27  }
0x17a: {  	v28 =	vmul.f32 v44, v44  }
0x17b: {  	v27 =	vmul.f32 $4.800000000e+01, v27  }
0x17c: {  	v28 =	vsel vm10, $0x0, v28  }
0x17d: {  	v24 =	vmul.f32 v28, v24;
	v27 =	vadd.f32 $-2.400000000e+01, v27  }
0x17e: {  	v25 =	vmul.f32 v28, v25  }
0x17f: {  	v26 =	vmul.f32 v28, v40;
	v24 =	vmul.f32 v27, v24  }
0x180: {  	v25 =	vmul.f32 v27, v25  }
0x181: {  	v45 =	vmul.f32 v27, v26;
	[tilespmem:v6+s18+$0x0] =	vst.idx.msk $0xffff, v24  }
0x182: {  	[tilespmem:v7+s18+$0x0] =	vst.idx.msk $0xffff, v25  }
0x183: {  	[tilespmem:v8+s18+$0x0] =	vst.idx.msk $0xffff, v45  }
0x184: {  	v24 =	vld.idx.msk [tilespmem:v9+s16+$0x0], $0xffff  }
0x185: {  	v25 =	vld.idx.msk [tilespmem:v10+s16+$0x0], $0xffff  }
0x186: {  	v46 =	vld.idx.msk [tilespmem:v9+s17+$0x0], $0xffff  }
0x187: {  	v47 =	vld.idx.msk [tilespmem:v10+s17+$0x0], $0xffff  }
0x188: {  	v48 =	vld.idx.msk [tilespmem:v11+s16+$0x0], $0xffff  }
0x189: {  	v49 =	vld.idx.msk [tilespmem:v11+s17+$0x0], $0xffff;
	_ =	sdelay $0x2  }
0x18a: {  	v24 =	vsub.f32 v24, v46;
	v25 =	vsub.f32 v25, v47;
	_ =	sdelay $0x1  }
0x18b: {  	v50 =	vsub.f32 v48, v49;
	v51 =	vmul.f32 v24, v24;
	v52 =	vmul.f32 v25, v25;
	_ =	sdelay $0x1  }
0x18c: {  	v53 =	vmul.f32 v50, v50;
	v27 =	vadd.f32 v52, v51;
	_ =	sdelay $0x1  }
0x18d: {  	v27 =	vadd.f32 v53, v27;
	_ =	sdelay $0x1  }
0x18e: {  	vm11 =	veq.f32 v27, $0.0e+00  }
0x18f: {  	v27 =	vsel vm11, $0x3F800000, v27  }
0x190: {  	(erf) = vrcp.f32 v27;
	_ =	sdelay $0x8  }
0x191: {  	v27 =	vpop (erf)  }
0x192: {  	v54 =	vmul.f32 v27, v27;
	_ =	sdelay $0x1  }
0x193: {  	v27 =	vmul.f32 v54, v27  }
0x194: {  	v28 =	vmul.f32 v54, v54  }
0x195: {  	v27 =	vmul.f32 $4.800000000e+01, v27  }
0x196: {  	v28 =	vsel vm11, $0x0, v28  }
0x197: {  	v24 =	vmul.f32 v28, v24;
	v27 =	vadd.f32 $-2.400000000e+01, v27  }
0x198: {  	v25 =	vmul.f32 v28, v25  }
0x199: {  	v26 =	vmul.f32 v28, v50;
	v24 =	vmul.f32 v27, v24  }
0x19a: {  	v25 =	vmul.f32 v27, v25  }
0x19b: {  	v55 =	vmul.f32 v27, v26;
	[tilespmem:v9+s18+$0x0] =	vst.idx.msk $0xffff, v24  }
0x19c: {  	[tilespmem:v10+s18+$0x0] =	vst.idx.msk $0xffff, v25  }
0x19d: {  	[tilespmem:v11+s18+$0x0] =	vst.idx.msk $0xffff, v55  }
0x19e: {  	v24 =	vld.idx.msk [tilespmem:v12+s16+$0x0], $0xffff  }
0x19f: {  	v25 =	vld.idx.msk [tilespmem:v13+s16+$0x0], $0xffff  }
0x1a0: {  	v56 =	vld.idx.msk [tilespmem:v12+s17+$0x0], $0xffff  }
0x1a1: {  	v57 =	vld.idx.msk [tilespmem:v13+s17+$0x0], $0xffff  }
0x1a2: {  	v58 =	vld.idx.msk [tilespmem:v14+s16+$0x0], $0xffff  }
0x1a3: {  	v59 =	vld.idx.msk [tilespmem:v14+s17+$0x0], $0xffff;
	_ =	sdelay $0x2  }
0x1a4: {  	v24 =	vsub.f32 v24, v56;
	v25 =	vsub.f32 v25, v57;
	_ =	sdelay $0x1  }
0x1a5: {  	v60 =	vsub.f32 v58, v59;
	v61 =	vmul.f32 v24, v24;
	v62 =	vmul.f32 v25, v25;
	_ =	sdelay $0x1  }
0x1a6: {  	v63 =	vmul.f32 v60, v60;
	v27 =	vadd.f32 v62, v61;
	_ =	sdelay $0x1  }
0x1a7: {  	v27 =	vadd.f32 v63, v27;
	_ =	sdelay $0x1  }
0x1a8: {  	vm12 =	veq.f32 v27, $0.0e+00  }
0x1a9: {  	v27 =	vsel vm12, $0x3F800000, v27  }
0x1aa: {  	(erf) = vrcp.f32 v27;
	_ =	sdelay $0x8  }
0x1ab: {  	v27 =	vpop (erf)  }
0x1ac: {  	v32 =	vmul.f32 v27, v27;
	_ =	sdelay $0x1  }
0x1ad: {  	v27 =	vmul.f32 v32, v27  }
0x1ae: {  	v28 =	vmul.f32 v32, v32  }
0x1af: {  	v27 =	vmul.f32 $4.800000000e+01, v27  }
0x1b0: {  	v28 =	vsel vm12, $0x0, v28  }
0x1b1: {  	v24 =	vmul.f32 v28, v24;
	v27 =	vadd.f32 $-2.400000000e+01, v27  }
0x1b2: {  	v25 =	vmul.f32 v28, v25  }
0x1b3: {  	v26 =	vmul.f32 v28, v60;
	v24 =	vmul.f32 v27, v24  }
0x1b4: {  	v25 =	vmul.f32 v27, v25  }
0x1b5: {  	v33 =	vmul.f32 v27, v26;
	[tilespmem:v12+s18+$0x0] =	vst.idx.msk $0xffff, v24  }
0x1b6: {  	[tilespmem:v13+s18+$0x0] =	vst.idx.msk $0xffff, v25  }
0x1b7: {  	[tilespmem:v14+s18+$0x0] =	vst.idx.msk $0xffff, v33  }
0x1b8: {  	v24 =	vld.idx.msk [tilespmem:v15+s16+$0x0], $0xffff  }
0x1b9: {  	v25 =	vld.idx.msk [tilespmem:v16+s16+$0x0], $0xffff  }
0x1ba: {  	v34 =	vld.idx.msk [tilespmem:v15+s17+$0x0], $0xffff  }
0x1bb: {  	v35 =	vld.idx.msk [tilespmem:v16+s17+$0x0], $0xffff  }
0x1bc: {  	v36 =	vld.idx.msk [tilespmem:v17+s16+$0x0], $0xffff  }
0x1bd: {  	v37 =	vld.idx.msk [tilespmem:v17+s17+$0x0], $0xffff;
	_ =	sdelay $0x2  }
0x1be: {  	v24 =	vsub.f32 v24, v34;
	v25 =	vsub.f32 v25, v35;
	_ =	sdelay $0x1  }
0x1bf: {  	v38 =	vsub.f32 v36, v37;
	v39 =	vmul.f32 v24, v24;
	v40 =	vmul.f32 v25, v25;
	_ =	sdelay $0x1  }
0x1c0: {  	v41 =	vmul.f32 v38, v38;
	v27 =	vadd.f32 v40, v39;
	_ =	sdelay $0x1  }
0x1c1: {  	v27 =	vadd.f32 v41, v27;
	_ =	sdelay $0x1  }
0x1c2: {  	vm13 =	veq.f32 v27, $0.0e+00  }
0x1c3: {  	v27 =	vsel vm13, $0x3F800000, v27  }
0x1c4: {  	(erf) = vrcp.f32 v27;
	_ =	sdelay $0x8  }
0x1c5: {  	v27 =	vpop (erf)  }
0x1c6: {  	v42 =	vmul.f32 v27, v27;
	_ =	sdelay $0x1  }
0x1c7: {  	v27 =	vmul.f32 v42, v27  }
0x1c8: {  	v28 =	vmul.f32 v42, v42  }
0x1c9: {  	v27 =	vmul.f32 $4.800000000e+01, v27  }
0x1ca: {  	v28 =	vsel vm13, $0x0, v28  }
0x1cb: {  	v24 =	vmul.f32 v28, v24;
	v27 =	vadd.f32 $-2.400000000e+01, v27  }
0x1cc: {  	v25 =	vmul.f32 v28, v25  }
0x1cd: {  	v26 =	vmul.f32 v28, v38;
	v24 =	vmul.f32 v27, v24  }
0x1ce: {  	v25 =	vmul.f32 v27, v25  }
0x1cf: {  	v43 =	vmul.f32 v27, v26;
	[tilespmem:v15+s18+$0x0] =	vst.idx.msk $0xffff, v24  }
0x1d0: {  	[tilespmem:v16+s18+$0x0] =	vst.idx.msk $0xffff, v25  }
0x1d1: {  	[tilespmem:v17+s18+$0x0] =	vst.idx.msk $0xffff, v43  }
0x1d2: {  	v24 =	vld.idx.msk [tilespmem:v18+s16+$0x0], $0xffff  }
0x1d3: {  	v25 =	vld.idx.msk [tilespmem:v19+s16+$0x0], $0xffff  }
0x1d4: {  	v44 =	vld.idx.msk [tilespmem:v18+s17+$0x0], $0xffff  }
0x1d5: {  	v45 =	vld.idx.msk [tilespmem:v19+s17+$0x0], $0xffff  }
0x1d6: {  	v46 =	vld.idx.msk [tilespmem:v20+s16+$0x0], $0xffff  }
0x1d7: {  	v47 =	vld.idx.msk [tilespmem:v20+s17+$0x0], $0xffff;
	_ =	sdelay $0x2  }
0x1d8: {  	v24 =	vsub.f32 v24, v44;
	v25 =	vsub.f32 v25, v45;
	_ =	sdelay $0x1  }
0x1d9: {  	v48 =	vsub.f32 v46, v47;
	v49 =	vmul.f32 v24, v24;
	v50 =	vmul.f32 v25, v25;
	_ =	sdelay $0x1  }
0x1da: {  	v51 =	vmul.f32 v48, v48;
	v27 =	vadd.f32 v50, v49;
	_ =	sdelay $0x1  }
0x1db: {  	v27 =	vadd.f32 v51, v27;
	_ =	sdelay $0x1  }
0x1dc: {  	vm14 =	veq.f32 v27, $0.0e+00  }
0x1dd: {  	v27 =	vsel vm14, $0x3F800000, v27  }
0x1de: {  	(erf) = vrcp.f32 v27;
	_ =	sdelay $0x8  }
0x1df: {  	v27 =	vpop (erf)  }
0x1e0: {  	v52 =	vmul.f32 v27, v27;
	_ =	sdelay $0x1  }
0x1e1: {  	v27 =	vmul.f32 v52, v27  }
0x1e2: {  	v28 =	vmul.f32 v52, v52  }
0x1e3: {  	v27 =	vmul.f32 $4.800000000e+01, v27  }
0x1e4: {  	v28 =	vsel vm14, $0x0, v28  }
0x1e5: {  	v24 =	vmul.f32 v28, v24;
	v27 =	vadd.f32 $-2.400000000e+01, v27  }
0x1e6: {  	v25 =	vmul.f32 v28, v25  }
0x1e7: {  	v26 =	vmul.f32 v28, v48;
	v24 =	vmul.f32 v27, v24  }
0x1e8: {  	v25 =	vmul.f32 v27, v25  }
0x1e9: {  	v53 =	vmul.f32 v27, v26;
	[tilespmem:v18+s18+$0x0] =	vst.idx.msk $0xffff, v24  }
0x1ea: {  	[tilespmem:v19+s18+$0x0] =	vst.idx.msk $0xffff, v25  }
0x1eb: {  	[tilespmem:v20+s18+$0x0] =	vst.idx.msk $0xffff, v53  }
0x1ec: {  	v24 =	vld.idx.msk [tilespmem:v21+s16+$0x0], $0xffff  }
0x1ed: {  	v25 =	vld.idx.msk [tilespmem:v22+s16+$0x0], $0xffff  }
0x1ee: {  	v54 =	vld.idx.msk [tilespmem:v21+s17+$0x0], $0xffff  }
0x1ef: {  	v55 =	vld.idx.msk [tilespmem:v22+s17+$0x0], $0xffff  }
0x1f0: {  	v56 =	vld.idx.msk [tilespmem:v23+s16+$0x0], $0xffff  }
0x1f1: {  	v57 =	vld.idx.msk [tilespmem:v23+s17+$0x0], $0xffff;
	_ =	sdelay $0x2  }
0x1f2: {  	v24 =	vsub.f32 v24, v54;
	v25 =	vsub.f32 v25, v55;
	_ =	sdelay $0x1  }
0x1f3: {  	v58 =	vsub.f32 v56, v57;
	v59 =	vmul.f32 v24, v24;
	v60 =	vmul.f32 v25, v25;
	_ =	sdelay $0x1  }
0x1f4: {  	v61 =	vmul.f32 v58, v58;
	v27 =	vadd.f32 v60, v59;
	_ =	sdelay $0x1  }
0x1f5: {  	v27 =	vadd.f32 v61, v27;
	_ =	sdelay $0x1  }
0x1f6: {  	vm15 =	veq.f32 v27, $0.0e+00  }
0x1f7: {  	v27 =	vsel vm15, $0x3F800000, v27  }
0x1f8: {  	(erf) = vrcp.f32 v27;
	_ =	sdelay $0x8  }
0x1f9: {  	v27 =	vpop (erf)  }
0x1fa: {  	v62 =	vmul.f32 v27, v27;
	_ =	sdelay $0x1  }
0x1fb: {  	v27 =	vmul.f32 v62, v27  }
0x1fc: {  	v28 =	vmul.f32 v62, v62  }
0x1fd: {  	v27 =	vmul.f32 $4.800000000e+01, v27  }
0x1fe: {  	v28 =	vsel vm15, $0x0, v28  }
0x1ff: {  	v24 =	vmul.f32 v28, v24;
	v27 =	vadd.f32 $-2.400000000e+01, v27  }
0x200: {  	v25 =	vmul.f32 v28, v25  }
0x201: {  	v26 =	vmul.f32 v28, v58;
	v24 =	vmul.f32 v27, v24  }
0x202: {  	v25 =	vmul.f32 v27, v25  }
0x203: {  	v63 =	vmul.f32 v27, v26;
	[tilespmem:v21+s18+$0x0] =	vst.idx.msk $0xffff, v24  }
0x204: {  	[tilespmem:v22+s18+$0x0] =	vst.idx.msk $0xffff, v25  }
.Ltmp4:
0x205: {  	[tilespmem:v23+s18+$0x0] =	vst.idx.msk $0xffff, v63;
	(pc) =	sbr.rel .LBB2_5-.Ltmp4, $4  }
0x206: {  	[spmem:s1] =	stream.indirect.scatter.add.f32 [tilespmem:s18], [sflag:$0x1], $0x8, s19, s15, $0xb8;
	[tilespmem:$0x19420] =	vst v63  }
0x207: {  	_ =	swait.ge [sflag:s13], $0x400  }
0x208: {  	[sflag:s13] =	ssyncset.done $0x0  }
0x209: {  	[sflag:s13] =	ssyncadd.s32 $0xFFFFFC00  }
.LBB2_6:
0x20a: {  	_ =	sfence.sel $0x180000  }
0x20b: {  	[bflag:$0x0] =	sbarrier.arrive $0xFFFF  }
0x20c: {  	_ =	strace $0x90000047  }
0x20d: {  	s0 =	sadd.s32 @!p0 $0x100000, s0;
	[bflag:$0x2] =	sbarrier.arrive $0xFFFF  }
0x20e: {  	[sflag:s0] =	ssyncadd.tile.s32 @!p0 $0x1;
	_ =	shalt  }
.Lfunc_end2:
_tile_overlayer_lowered:
.L_overlay_start_2:
0x20f: {  	(tag) =	ssettag $0x2  }
0x210: {  	s0 =	rddreg [dreg:$0x0];
	s2 =	stileid.u32  }
0x211: {  	s1 =	rddreg [dreg:$0x1];
	p0 =	sne.s32 s2, $0x0  }
0x212: {  	s3 =	rddreg [dreg:$0x2];
	[bflag:$0x3] =	sbarrier.arrive $0xFFFF;
	s2 =	simm.s32 @!p0 $0x1C01  }
0x213: {  	[timem:s3], [sflag:s2] =	dma.local @!p0 [hbm:s0], s1  }
0x214: {  	s0 =	simm.s32 @!p0 $0x1  }
0x215: {  	_ =	swait.ge @!p0 [sflag:s0], s1  }
0x216: {  	s1 =	ssub.s32 @!p0 $0x0, s1;
	[sflag:s0] =	ssyncset.done @!p0 $0x0  }
0x217: {  	[sflag:s0] =	ssyncadd.s32 @!p0 s1  }
0x218: {  	[bflag:$0x3] =	sbarrier.arrive $0xFFFF  }
0x219: {  	_ =	shalt  }

</sc_bundles>
